<compile_context>
chip_gen: v7x
topology: tpu7x:2x2x1
jax: 0.10.2.dev20260603
libtpu: 0.0.44.dev20260713+nightly
codegen_flags: <defaults>
</compile_context>

<pallas_src>
import jax
import jax.numpy as jnp
from jax import lax
from jax.experimental import pallas as pl
from jax.experimental.pallas import tpu as pltpu
from jax.experimental.pallas import tpu_sc as plsc

B, S, D = 4, 8192, 2048
NW = 32
DCHUNK = D // (NW // B)
NDC = D // DCHUNK
SB = 64
NSB = S // SB
NRING = 2
NV = DCHUNK // 16


def _cumsum_body(x_hbm, out_hbm, in_buf, out_buf, in_sems, out_sems):
    c = lax.axis_index("c")
    s = lax.axis_index("s")
    wid = s * 2 + c
    b = wid // NDC
    dc = (wid % NDC) * DCHUNK

    def gather(blk, slot):
        return pltpu.make_async_copy(
            x_hbm.at[b, pl.ds(blk * SB, SB), pl.ds(dc, DCHUNK)],
            in_buf.at[slot],
            in_sems.at[slot],
        )

    def scatter(blk, slot):
        return pltpu.make_async_copy(
            out_buf.at[slot],
            out_hbm.at[b, pl.ds(blk * SB, SB), pl.ds(dc, DCHUNK)],
            out_sems.at[slot],
        )

    for k in range(NRING):
        gather(k, k).start()

    def outer(g, accs):
        for k in range(NRING):
            blk = g * NRING + k
            gather(blk, k).wait()

            @pl.when(g > 0)
            def _():
                scatter(blk - NRING, k).wait()

            def step(r, accs):
                new = []
                for j in range(NV):
                    a = accs[j] + in_buf[k, r, pl.ds(j * 16, 16)]
                    out_buf[k, r, pl.ds(j * 16, 16)] = a
                    new.append(a)
                return tuple(new)

            accs = lax.fori_loop(0, SB, step, accs, unroll=2)
            scatter(blk, k).start()

            @pl.when(g < NSB // NRING - 1)
            def _():
                gather(blk + NRING, k).start()
        return accs

    zeros = tuple(jnp.zeros((16,), jnp.float32) for _ in range(NV))
    lax.fori_loop(0, NSB // NRING, outer, zeros)

    for k in range(NRING):
        scatter(NSB - NRING + k, k).wait()


@jax.jit
def kernel(x):
    run = pl.kernel(
        _cumsum_body,
        out_type=jax.ShapeDtypeStruct((B, S, D), jnp.float32),
        mesh=plsc.VectorSubcoreMesh(core_axis_name="c", subcore_axis_name="s"),
        scratch_types=[
            pltpu.VMEM((NRING, SB, DCHUNK), jnp.float32),
            pltpu.VMEM((NRING, SB, DCHUNK), jnp.float32),
            pltpu.SemaphoreType.DMA((NRING,)),
            pltpu.SemaphoreType.DMA((NRING,)),
        ],
    )
    return run(x)

# --- scband reference (transcript-rebuilt; emitter-appended) ---
"""Pipeline reference for scband-model-new-23656679867276 (READ-ONLY COPY).

The authoritative reference and input builder live on the scoring server;
editing this copy changes nothing except your own understanding.
"""

import jax, jax.numpy as jnp
import numpy as np

DIM = 1

def setup_inputs(seed: int = 0) -> dict:
    key = jax.random.key(seed)
    x = jax.random.normal(key, (4, 8192, 2048), dtype=jnp.float32)
    return {"x": x}

def reference(x):
    # Faithful translation: cumulative sum along configured dim.
    # Original kernel upcasts to float32 (already float32 here) and scans along dim.
    return jnp.cumsum(x, axis=DIM)

if __name__ == "__main__":
    import jax
    _d = setup_inputs()
    print(jax.jit(kernel)(*tuple(_d.values())))

</pallas_src>

<mosaic_0001>
#map = affine_map<(d0, d1) -> (0, 0, 0)>
module attributes {stable_mosaic.version = 14 : i64} {
  func.func @_cumsum_body(%arg0: i32, %arg1: i32, %arg2: memref<4x8192x2048xf32, #tpu.memory_space<hbm>>, %arg3: memref<4x8192x2048xf32, #tpu.memory_space<hbm>>, %arg4: memref<2x64x256xf32, #tpu.memory_space<vmem>>, %arg5: memref<2x64x256xf32, #tpu.memory_space<vmem>>, %arg6: memref<2x!tpu.dma_semaphore, #tpu.memory_space<semaphore_mem>>, %arg7: memref<2x!tpu.dma_semaphore, #tpu.memory_space<semaphore_mem>>) attributes {dimension_semantics = [#tpu.dimension_semantics<core_parallel>, #tpu.dimension_semantics<subcore_parallel>], iteration_bounds = array<i64: 2, 16>, scalar_prefetch = 0 : i64, scratch_operands = 4 : i64, tpu.core_type = #tpu.core_type<sc_vector_subcore>, window_params = [{transform_indices = #map}, {transform_indices = #map}]} {
    %mul3A = arith.constant 2 : i32
    %mul3A_0 = arith.muli %arg1, %mul3A : i32
    %add3A = arith.addi %mul3A_0, %arg0 : i32
    %jit3A = arith.constant 8 : i32
    %div3A = arith.divsi %add3A, %jit3A : i32
    %sign3A = arith.constant 0 : i32
    %sign3A_1 = arith.cmpi sgt, %add3A, %sign3A : i32
    %sign3A_2 = arith.extui %sign3A_1 : i1 to i32
    %sign3A_3 = arith.constant 0 : i32
    %sign3A_4 = arith.cmpi slt, %add3A, %sign3A_3 : i32
    %sign3A_5 = arith.extui %sign3A_4 : i1 to i32
    %sign3A_6 = arith.subi %sign3A_2, %sign3A_5 : i32
    %sign3A_7 = arith.constant 0 : i32
    %sign3A_8 = arith.cmpi sgt, %jit3A, %sign3A_7 : i32
    %sign3A_9 = arith.extui %sign3A_8 : i1 to i32
    %sign3A_10 = arith.constant 0 : i32
    %sign3A_11 = arith.cmpi slt, %jit3A, %sign3A_10 : i32
    %sign3A_12 = arith.extui %sign3A_11 : i1 to i32
    %sign3A_13 = arith.subi %sign3A_9, %sign3A_12 : i32
    %ne3A = arith.cmpi ne, %sign3A_6, %sign3A_13 : i32
    %rem3A = arith.remsi %add3A, %jit3A : i32
    %ne3A_14 = arith.constant 0 : i32
    %ne3A_15 = arith.cmpi ne, %rem3A, %ne3A_14 : i32
    %and3A = arith.andi %ne3A, %ne3A_15 : i1
    %sub3A = arith.constant 1 : i32
    %sub3A_16 = arith.subi %div3A, %sub3A : i32
    %select_n3A = arith.select %and3A, %sub3A_16, %div3A : i32
    %jit3A_17 = arith.constant 8 : i32
    %eq3A = arith.constant 0 : i32
    %eq3A_18 = arith.cmpi eq, %jit3A_17, %eq3A : i32
    %jit3A_19 = arith.constant 1 : i32
    %select_n3A_20 = arith.select %eq3A_18, %jit3A_19, %jit3A_17 : i32
    %rem3A_21 = arith.remsi %add3A, %select_n3A_20 : i32
    %ne3A_22 = arith.constant 0 : i32
    %ne3A_23 = arith.cmpi ne, %rem3A_21, %ne3A_22 : i32
    %lt3A = arith.constant 0 : i32
    %lt3A_24 = arith.cmpi slt, %rem3A_21, %lt3A : i32
    %lt3A_25 = arith.constant 0 : i32
    %lt3A_26 = arith.cmpi slt, %select_n3A_20, %lt3A_25 : i32
    %ne3A_27 = arith.xori %lt3A_24, %lt3A_26 : i1
    %and3A_28 = arith.andi %ne3A_27, %ne3A_23 : i1
    %add3A_29 = arith.addi %rem3A_21, %select_n3A_20 : i32
    %select_n3A_30 = arith.select %and3A_28, %add3A_29, %rem3A_21 : i32
    %mul3A_31 = arith.constant 256 : i32
    %mul3A_32 = arith.muli %select_n3A_30, %mul3A_31 : i32
    %dma_start3A = arith.constant 0 : i32
    %dma_start3A_33 = arith.constant 0 : i32
    %dma_start3A_34 = arith.constant 0 : i32
    %dma_start3A_35 = arith.constant 0 : i32
    %dma_start3A_36 = tpu.memref_slice %arg4[%dma_start3A, %dma_start3A_34, %dma_start3A_35] : memref<2x64x256xf32, #tpu.memory_space<vmem>> -> memref<1x64x256xf32, #tpu.memory_space<vmem>>
    %dma_start3A_37 = tpu.memref_squeeze %dma_start3A_36 : memref<1x64x256xf32, #tpu.memory_space<vmem>> -> memref<64x256xf32, #tpu.memory_space<vmem>>
    %dma_start3A_38 = arith.constant 0 : i32
    %dma_start3A_39 = tpu.memref_slice %arg2[%select_n3A, %dma_start3A_38, %mul3A_32] : memref<4x8192x2048xf32, #tpu.memory_space<hbm>> -> memref<1x64x256xf32, #tpu.memory_space<hbm>>
    %dma_start3A_40 = tpu.memref_squeeze %dma_start3A_39 : memref<1x64x256xf32, #tpu.memory_space<hbm>> -> memref<64x256xf32, #tpu.memory_space<hbm>>
    %dma_start3A_41 = tpu.memref_slice %arg6[%dma_start3A_33] : memref<2x!tpu.dma_semaphore, #tpu.memory_space<semaphore_mem>> -> memref<1x!tpu.dma_semaphore, #tpu.memory_space<semaphore_mem>>
    %dma_start3A_42 = tpu.memref_squeeze %dma_start3A_41 : memref<1x!tpu.dma_semaphore, #tpu.memory_space<semaphore_mem>> -> memref<!tpu.dma_semaphore, #tpu.memory_space<semaphore_mem>>
    %dma_start3A_43 = arith.constant 0 : i32
    %dma_start3A_44 = arith.constant 0 : i32
    %dma_start3A_45 = tpu.memref_slice %arg4[%dma_start3A, %dma_start3A_43, %dma_start3A_44] : memref<2x64x256xf32, #tpu.memory_space<vmem>> -> memref<1x64x256xf32, #tpu.memory_space<vmem>>
    %dma_start3A_46 = tpu.memref_squeeze %dma_start3A_45 : memref<1x64x256xf32, #tpu.memory_space<vmem>> -> memref<64x256xf32, #tpu.memory_space<vmem>>
    %dma_start3A_47 = arith.constant 0 : i32
    %dma_start3A_48 = tpu.memref_slice %arg2[%select_n3A, %dma_start3A_47, %mul3A_32] : memref<4x8192x2048xf32, #tpu.memory_space<hbm>> -> memref<1x64x256xf32, #tpu.memory_space<hbm>>
    %dma_start3A_49 = tpu.memref_squeeze %dma_start3A_48 : memref<1x64x256xf32, #tpu.memory_space<hbm>> -> memref<64x256xf32, #tpu.memory_space<hbm>>
    tpu.enqueue_dma source(%dma_start3A_49 : memref<64x256xf32, #tpu.memory_space<hbm>>) target(%dma_start3A_46 : memref<64x256xf32, #tpu.memory_space<vmem>>) target_semaphore(%dma_start3A_42 : memref<!tpu.dma_semaphore, #tpu.memory_space<semaphore_mem>>)
    %dma_start3A_50 = arith.constant 1 : i32
    %dma_start3A_51 = arith.constant 1 : i32
    %dma_start3A_52 = arith.constant 0 : i32
    %dma_start3A_53 = arith.constant 0 : i32
    %dma_start3A_54 = tpu.memref_slice %arg4[%dma_start3A_50, %dma_start3A_52, %dma_start3A_53] : memref<2x64x256xf32, #tpu.memory_space<vmem>> -> memref<1x64x256xf32, #tpu.memory_space<vmem>>
    %dma_start3A_55 = tpu.memref_squeeze %dma_start3A_54 : memref<1x64x256xf32, #tpu.memory_space<vmem>> -> memref<64x256xf32, #tpu.memory_space<vmem>>
    %dma_start3A_56 = arith.constant 64 : i32
    %dma_start3A_57 = tpu.memref_slice %arg2[%select_n3A, %dma_start3A_56, %mul3A_32] : memref<4x8192x2048xf32, #tpu.memory_space<hbm>> -> memref<1x64x256xf32, #tpu.memory_space<hbm>>
    %dma_start3A_58 = tpu.memref_squeeze %dma_start3A_57 : memref<1x64x256xf32, #tpu.memory_space<hbm>> -> memref<64x256xf32, #tpu.memory_space<hbm>>
    %dma_start3A_59 = tpu.memref_slice %arg6[%dma_start3A_51] : memref<2x!tpu.dma_semaphore, #tpu.memory_space<semaphore_mem>> -> memref<1x!tpu.dma_semaphore, #tpu.memory_space<semaphore_mem>>
    %dma_start3A_60 = tpu.memref_squeeze %dma_start3A_59 : memref<1x!tpu.dma_semaphore, #tpu.memory_space<semaphore_mem>> -> memref<!tpu.dma_semaphore, #tpu.memory_space<semaphore_mem>>
    %dma_start3A_61 = arith.constant 0 : i32
    %dma_start3A_62 = arith.constant 0 : i32
    %dma_start3A_63 = tpu.memref_slice %arg4[%dma_start3A_50, %dma_start3A_61, %dma_start3A_62] : memref<2x64x256xf32, #tpu.memory_space<vmem>> -> memref<1x64x256xf32, #tpu.memory_space<vmem>>
    %dma_start3A_64 = tpu.memref_squeeze %dma_start3A_63 : memref<1x64x256xf32, #tpu.memory_space<vmem>> -> memref<64x256xf32, #tpu.memory_space<vmem>>
    %dma_start3A_65 = arith.constant 64 : i32
    %dma_start3A_66 = tpu.memref_slice %arg2[%select_n3A, %dma_start3A_65, %mul3A_32] : memref<4x8192x2048xf32, #tpu.memory_space<hbm>> -> memref<1x64x256xf32, #tpu.memory_space<hbm>>
    %dma_start3A_67 = tpu.memref_squeeze %dma_start3A_66 : memref<1x64x256xf32, #tpu.memory_space<hbm>> -> memref<64x256xf32, #tpu.memory_space<hbm>>
    tpu.enqueue_dma source(%dma_start3A_67 : memref<64x256xf32, #tpu.memory_space<hbm>>) target(%dma_start3A_64 : memref<64x256xf32, #tpu.memory_space<vmem>>) target_semaphore(%dma_start3A_60 : memref<!tpu.dma_semaphore, #tpu.memory_space<semaphore_mem>>)
    %broadcast_in_dim3A = arith.constant 0.000000e+00 : f32
    %broadcast_in_dim3A_68 = vector.broadcast %broadcast_in_dim3A : f32 to vector<16xf32>
    %broadcast_in_dim3A_69 = arith.constant 0.000000e+00 : f32
    %broadcast_in_dim3A_70 = vector.broadcast %broadcast_in_dim3A_69 : f32 to vector<16xf32>
    %broadcast_in_dim3A_71 = arith.constant 0.000000e+00 : f32
    %broadcast_in_dim3A_72 = vector.broadcast %broadcast_in_dim3A_71 : f32 to vector<16xf32>
    %broadcast_in_dim3A_73 = arith.constant 0.000000e+00 : f32
    %broadcast_in_dim3A_74 = vector.broadcast %broadcast_in_dim3A_73 : f32 to vector<16xf32>
    %broadcast_in_dim3A_75 = arith.constant 0.000000e+00 : f32
    %broadcast_in_dim3A_76 = vector.broadcast %broadcast_in_dim3A_75 : f32 to vector<16xf32>
    %broadcast_in_dim3A_77 = arith.constant 0.000000e+00 : f32
    %broadcast_in_dim3A_78 = vector.broadcast %broadcast_in_dim3A_77 : f32 to vector<16xf32>
    %broadcast_in_dim3A_79 = arith.constant 0.000000e+00 : f32
    %broadcast_in_dim3A_80 = vector.broadcast %broadcast_in_dim3A_79 : f32 to vector<16xf32>
    %broadcast_in_dim3A_81 = arith.constant 0.000000e+00 : f32
    %broadcast_in_dim3A_82 = vector.broadcast %broadcast_in_dim3A_81 : f32 to vector<16xf32>
    %broadcast_in_dim3A_83 = arith.constant 0.000000e+00 : f32
    %broadcast_in_dim3A_84 = vector.broadcast %broadcast_in_dim3A_83 : f32 to vector<16xf32>
    %broadcast_in_dim3A_85 = arith.constant 0.000000e+00 : f32
    %broadcast_in_dim3A_86 = vector.broadcast %broadcast_in_dim3A_85 : f32 to vector<16xf32>
    %broadcast_in_dim3A_87 = arith.constant 0.000000e+00 : f32
    %broadcast_in_dim3A_88 = vector.broadcast %broadcast_in_dim3A_87 : f32 to vector<16xf32>
    %broadcast_in_dim3A_89 = arith.constant 0.000000e+00 : f32
    %broadcast_in_dim3A_90 = vector.broadcast %broadcast_in_dim3A_89 : f32 to vector<16xf32>
    %broadcast_in_dim3A_91 = arith.constant 0.000000e+00 : f32
    %broadcast_in_dim3A_92 = vector.broadcast %broadcast_in_dim3A_91 : f32 to vector<16xf32>
    %broadcast_in_dim3A_93 = arith.constant 0.000000e+00 : f32
    %broadcast_in_dim3A_94 = vector.broadcast %broadcast_in_dim3A_93 : f32 to vector<16xf32>
    %broadcast_in_dim3A_95 = arith.constant 0.000000e+00 : f32
    %broadcast_in_dim3A_96 = vector.broadcast %broadcast_in_dim3A_95 : f32 to vector<16xf32>
    %broadcast_in_dim3A_97 = arith.constant 0.000000e+00 : f32
    %broadcast_in_dim3A_98 = vector.broadcast %broadcast_in_dim3A_97 : f32 to vector<16xf32>
    %scan3A = arith.constant 0 : i32
    %scan3A_99 = arith.constant 64 : i32
    %scan3A_100 = arith.addi %scan3A, %scan3A_99 : i32
    %scan3A_101 = arith.constant 1 : i32
    %scan3A_102:16 = scf.for %scan3A_139 = %scan3A to %scan3A_100 step %scan3A_101 iter_args(%scan3A_140 = %broadcast_in_dim3A_68, %scan3A_141 = %broadcast_in_dim3A_70, %scan3A_142 = %broadcast_in_dim3A_72, %scan3A_143 = %broadcast_in_dim3A_74, %scan3A_144 = %broadcast_in_dim3A_76, %scan3A_145 = %broadcast_in_dim3A_78, %scan3A_146 = %broadcast_in_dim3A_80, %scan3A_147 = %broadcast_in_dim3A_82, %scan3A_148 = %broadcast_in_dim3A_84, %scan3A_149 = %broadcast_in_dim3A_86, %scan3A_150 = %broadcast_in_dim3A_88, %scan3A_151 = %broadcast_in_dim3A_90, %scan3A_152 = %broadcast_in_dim3A_92, %scan3A_153 = %broadcast_in_dim3A_94, %scan3A_154 = %broadcast_in_dim3A_96, %scan3A_155 = %broadcast_in_dim3A_98) -> (vector<16xf32>, vector<16xf32>, vector<16xf32>, vector<16xf32>, vector<16xf32>, vector<16xf32>, vector<16xf32>, vector<16xf32>, vector<16xf32>, vector<16xf32>, vector<16xf32>, vector<16xf32>, vector<16xf32>, vector<16xf32>, vector<16xf32>, vector<16xf32>)  : i32 {
      %mul3A_156 = arith.constant 2 : i32
      %mul3A_157 = arith.muli %scan3A_139, %mul3A_156 : i32
      %add3A_158 = arith.constant 0 : i32
      %add3A_159 = arith.addi %mul3A_157, %add3A_158 : i32
      %mul3A_160 = arith.constant 64 : i32
      %mul3A_161 = arith.muli %add3A_159, %mul3A_160 : i32
      %dma_wait3A_162 = arith.constant 0 : i32
      %dma_wait3A_163 = arith.constant 0 : i32
      %dma_wait3A_164 = arith.constant 0 : i32
      %dma_wait3A_165 = arith.constant 0 : i32
      %dma_wait3A_166 = tpu.memref_slice %arg4[%dma_wait3A_162, %dma_wait3A_164, %dma_wait3A_165] : memref<2x64x256xf32, #tpu.memory_space<vmem>> -> memref<1x64x256xf32, #tpu.memory_space<vmem>>
      %dma_wait3A_167 = tpu.memref_squeeze %dma_wait3A_166 : memref<1x64x256xf32, #tpu.memory_space<vmem>> -> memref<64x256xf32, #tpu.memory_space<vmem>>
      %dma_wait3A_168 = tpu.memref_slice %arg2[%select_n3A, %mul3A_161, %mul3A_32] : memref<4x8192x2048xf32, #tpu.memory_space<hbm>> -> memref<1x64x256xf32, #tpu.memory_space<hbm>>
      %dma_wait3A_169 = tpu.memref_squeeze %dma_wait3A_168 : memref<1x64x256xf32, #tpu.memory_space<hbm>> -> memref<64x256xf32, #tpu.memory_space<hbm>>
      %dma_wait3A_170 = tpu.memref_slice %arg6[%dma_wait3A_163] : memref<2x!tpu.dma_semaphore, #tpu.memory_space<semaphore_mem>> -> memref<1x!tpu.dma_semaphore, #tpu.memory_space<semaphore_mem>>
      %dma_wait3A_171 = tpu.memref_squeeze %dma_wait3A_170 : memref<1x!tpu.dma_semaphore, #tpu.memory_space<semaphore_mem>> -> memref<!tpu.dma_semaphore, #tpu.memory_space<semaphore_mem>>
      %dma_wait3A_172 = arith.constant 0 : i32
      %dma_wait3A_173 = arith.constant 0 : i32
      %dma_wait3A_174 = tpu.memref_slice %arg4[%dma_wait3A_162, %dma_wait3A_172, %dma_wait3A_173] : memref<2x64x256xf32, #tpu.memory_space<vmem>> -> memref<1x64x256xf32, #tpu.memory_space<vmem>>
      %dma_wait3A_175 = tpu.memref_squeeze %dma_wait3A_174 : memref<1x64x256xf32, #tpu.memory_space<vmem>> -> memref<64x256xf32, #tpu.memory_space<vmem>>
      %dma_wait3A_176 = tpu.memref_slice %arg2[%select_n3A, %mul3A_161, %mul3A_32] : memref<4x8192x2048xf32, #tpu.memory_space<hbm>> -> memref<1x64x256xf32, #tpu.memory_space<hbm>>
      %dma_wait3A_177 = tpu.memref_squeeze %dma_wait3A_176 : memref<1x64x256xf32, #tpu.memory_space<hbm>> -> memref<64x256xf32, #tpu.memory_space<hbm>>
      tpu.wait_dma2 semaphore(%dma_wait3A_171 : memref<!tpu.dma_semaphore, #tpu.memory_space<semaphore_mem>>) src(%dma_wait3A_177 : memref<64x256xf32, #tpu.memory_space<hbm>>) dst(%dma_wait3A_175 : memref<64x256xf32, #tpu.memory_space<vmem>>)
      %gt3A = arith.constant 0 : i32
      %gt3A_178 = arith.cmpi sgt, %scan3A_139, %gt3A : i32
      %convert_element_type3A = arith.extui %gt3A_178 : i1 to i32
      %cond3A = arith.constant 0 : i32
      %cond3A_179 = arith.cmpi ne, %convert_element_type3A, %cond3A : i32
      scf.if %cond3A_179 {
        %sub3A_265 = arith.constant 2 : i32
        %sub3A_266 = arith.subi %add3A_159, %sub3A_265 : i32
        %mul3A_267 = arith.constant 64 : i32
        %mul3A_268 = arith.muli %sub3A_266, %mul3A_267 : i32
        %dma_wait3A_269 = arith.constant 0 : i32
        %dma_wait3A_270 = arith.constant 0 : i32
        %dma_wait3A_271 = arith.constant 0 : i32
        %dma_wait3A_272 = arith.constant 0 : i32
        %dma_wait3A_273 = tpu.memref_slice %arg5[%dma_wait3A_269, %dma_wait3A_271, %dma_wait3A_272] : memref<2x64x256xf32, #tpu.memory_space<vmem>> -> memref<1x64x256xf32, #tpu.memory_space<vmem>>
        %dma_wait3A_274 = tpu.memref_squeeze %dma_wait3A_273 : memref<1x64x256xf32, #tpu.memory_space<vmem>> -> memref<64x256xf32, #tpu.memory_space<vmem>>
        %dma_wait3A_275 = tpu.memref_slice %arg3[%select_n3A, %mul3A_268, %mul3A_32] : memref<4x8192x2048xf32, #tpu.memory_space<hbm>> -> memref<1x64x256xf32, #tpu.memory_space<hbm>>
        %dma_wait3A_276 = tpu.memref_squeeze %dma_wait3A_275 : memref<1x64x256xf32, #tpu.memory_space<hbm>> -> memref<64x256xf32, #tpu.memory_space<hbm>>
        %dma_wait3A_277 = tpu.memref_slice %arg7[%dma_wait3A_270] : memref<2x!tpu.dma_semaphore, #tpu.memory_space<semaphore_mem>> -> memref<1x!tpu.dma_semaphore, #tpu.memory_space<semaphore_mem>>
        %dma_wait3A_278 = tpu.memref_squeeze %dma_wait3A_277 : memref<1x!tpu.dma_semaphore, #tpu.memory_space<semaphore_mem>> -> memref<!tpu.dma_semaphore, #tpu.memory_space<semaphore_mem>>
        %dma_wait3A_279 = tpu.memref_slice %arg3[%select_n3A, %mul3A_268, %mul3A_32] : memref<4x8192x2048xf32, #tpu.memory_space<hbm>> -> memref<1x64x256xf32, #tpu.memory_space<hbm>>
        %dma_wait3A_280 = tpu.memref_squeeze %dma_wait3A_279 : memref<1x64x256xf32, #tpu.memory_space<hbm>> -> memref<64x256xf32, #tpu.memory_space<hbm>>
        %dma_wait3A_281 = arith.constant 0 : i32
        %dma_wait3A_282 = arith.constant 0 : i32
        %dma_wait3A_283 = tpu.memref_slice %arg5[%dma_wait3A_269, %dma_wait3A_281, %dma_wait3A_282] : memref<2x64x256xf32, #tpu.memory_space<vmem>> -> memref<1x64x256xf32, #tpu.memory_space<vmem>>
        %dma_wait3A_284 = tpu.memref_squeeze %dma_wait3A_283 : memref<1x64x256xf32, #tpu.memory_space<vmem>> -> memref<64x256xf32, #tpu.memory_space<vmem>>
        tpu.wait_dma2 semaphore(%dma_wait3A_278 : memref<!tpu.dma_semaphore, #tpu.memory_space<semaphore_mem>>) src(%dma_wait3A_284 : memref<64x256xf32, #tpu.memory_space<vmem>>) dst(%dma_wait3A_280 : memref<64x256xf32, #tpu.memory_space<hbm>>)
      } else {
      }
      %scan3A_180 = arith.constant 0 : i32
      %scan3A_181 = arith.constant 64 : i32
      %scan3A_182 = arith.addi %scan3A_180, %scan3A_181 : i32
      %scan3A_183 = arith.constant 2 : i32
      %scan3A_184:16 = scf.for %scan3A_265 = %scan3A_180 to %scan3A_182 step %scan3A_183 iter_args(%scan3A_266 = %scan3A_140, %scan3A_267 = %scan3A_141, %scan3A_268 = %scan3A_142, %scan3A_269 = %scan3A_143, %scan3A_270 = %scan3A_144, %scan3A_271 = %scan3A_145, %scan3A_272 = %scan3A_146, %scan3A_273 = %scan3A_147, %scan3A_274 = %scan3A_148, %scan3A_275 = %scan3A_149, %scan3A_276 = %scan3A_150, %scan3A_277 = %scan3A_151, %scan3A_278 = %scan3A_152, %scan3A_279 = %scan3A_153, %scan3A_280 = %scan3A_154, %scan3A_281 = %scan3A_155) -> (vector<16xf32>, vector<16xf32>, vector<16xf32>, vector<16xf32>, vector<16xf32>, vector<16xf32>, vector<16xf32>, vector<16xf32>, vector<16xf32>, vector<16xf32>, vector<16xf32>, vector<16xf32>, vector<16xf32>, vector<16xf32>, vector<16xf32>, vector<16xf32>)  : i32 {
        %get3A = arith.constant 0 : i32
        %get3A_282 = arith.index_cast %get3A : i32 to index
        %get3A_283 = arith.index_cast %scan3A_265 : i32 to index
        %get3A_284 = arith.constant 0 : index
        %get3A_285 = tpu.vector_load %arg4[%get3A_282, %get3A_283, %get3A_284] {strides = array<i32>} : memref<2x64x256xf32, #tpu.memory_space<vmem>>, vector<1x1x16xf32>,
        %get3A_286 = vector.shape_cast %get3A_285 : vector<1x1x16xf32> to vector<16xf32>
        %add3A_287 = arith.addf %scan3A_266, %get3A_286 : vector<16xf32>
        %swap3A = arith.constant 0 : i32
        %swap3A_288 = arith.index_cast %swap3A : i32 to index
        %swap3A_289 = arith.index_cast %scan3A_265 : i32 to index
        %swap3A_290 = arith.constant 0 : index
        %swap3A_291 = tpu.vector_load %arg5[%swap3A_288, %swap3A_289, %swap3A_290] {strides = array<i32>} : memref<2x64x256xf32, #tpu.memory_space<vmem>>, vector<1x1x16xf32>,
        %swap3A_292 = vector.shape_cast %swap3A_291 : vector<1x1x16xf32> to vector<16xf32>
        %swap3A_293 = vector.shape_cast %add3A_287 : vector<16xf32> to vector<1x1x16xf32>
        tpu.vector_store %arg5[%swap3A_288, %swap3A_289, %swap3A_290], %swap3A_293 {strides = array<i32>} : memref<2x64x256xf32, #tpu.memory_space<vmem>>, vector<1x1x16xf32>,
        %get3A_294 = arith.constant 0 : i32
        %get3A_295 = arith.index_cast %get3A_294 : i32 to index
        %get3A_296 = arith.index_cast %scan3A_265 : i32 to index
        %get3A_297 = arith.constant 16 : index
        %get3A_298 = tpu.vector_load %arg4[%get3A_295, %get3A_296, %get3A_297] {strides = array<i32>} : memref<2x64x256xf32, #tpu.memory_space<vmem>>, vector<1x1x16xf32>,
        %get3A_299 = vector.shape_cast %get3A_298 : vector<1x1x16xf32> to vector<16xf32>
        %add3A_300 = arith.addf %scan3A_267, %get3A_299 : vector<16xf32>
        %swap3A_301 = arith.constant 0 : i32
        %swap3A_302 = arith.index_cast %swap3A_301 : i32 to index
        %swap3A_303 = arith.index_cast %scan3A_265 : i32 to index
        %swap3A_304 = arith.constant 16 : index
        %swap3A_305 = tpu.vector_load %arg5[%swap3A_302, %swap3A_303, %swap3A_304] {strides = array<i32>} : memref<2x64x256xf32, #tpu.memory_space<vmem>>, vector<1x1x16xf32>,
        %swap3A_306 = vector.shape_cast %swap3A_305 : vector<1x1x16xf32> to vector<16xf32>
        %swap3A_307 = vector.shape_cast %add3A_300 : vector<16xf32> to vector<1x1x16xf32>
        tpu.vector_store %arg5[%swap3A_302, %swap3A_303, %swap3A_304], %swap3A_307 {strides = array<i32>} : memref<2x64x256xf32, #tpu.memory_space<vmem>>, vector<1x1x16xf32>,
        %get3A_308 = arith.constant 0 : i32
        %get3A_309 = arith.index_cast %get3A_308 : i32 to index
        %get3A_310 = arith.index_cast %scan3A_265 : i32 to index
        %get3A_311 = arith.constant 32 : index
        %get3A_312 = tpu.vector_load %arg4[%get3A_309, %get3A_310, %get3A_311] {strides = array<i32>} : memref<2x64x256xf32, #tpu.memory_space<vmem>>, vector<1x1x16xf32>,
        %get3A_313 = vector.shape_cast %get3A_312 : vector<1x1x16xf32> to vector<16xf32>
        %add3A_314 = arith.addf %scan3A_268, %get3A_313 : vector<16xf32>
        %swap3A_315 = arith.constant 0 : i32
        %swap3A_316 = arith.index_cast %swap3A_315 : i32 to index
        %swap3A_317 = arith.index_cast %scan3A_265 : i32 to index
        %swap3A_318 = arith.constant 32 : index
        %swap3A_319 = tpu.vector_load %arg5[%swap3A_316, %swap3A_317, %swap3A_318] {strides = array<i32>} : memref<2x64x256xf32, #tpu.memory_space<vmem>>, vector<1x1x16xf32>,
        %swap3A_320 = vector.shape_cast %swap3A_319 : vector<1x1x16xf32> to vector<16xf32>
        %swap3A_321 = vector.shape_cast %add3A_314 : vector<16xf32> to vector<1x1x16xf32>
        tpu.vector_store %arg5[%swap3A_316, %swap3A_317, %swap3A_318], %swap3A_321 {strides = array<i32>} : memref<2x64x256xf32, #tpu.memory_space<vmem>>, vector<1x1x16xf32>,
        %get3A_322 = arith.constant 0 : i32
        %get3A_323 = arith.index_cast %get3A_322 : i32 to index
        %get3A_324 = arith.index_cast %scan3A_265 : i32 to index
        %get3A_325 = arith.constant 48 : index
        %get3A_326 = tpu.vector_load %arg4[%get3A_323, %get3A_324, %get3A_325] {strides = array<i32>} : memref<2x64x256xf32, #tpu.memory_space<vmem>>, vector<1x1x16xf32>,
        %get3A_327 = vector.shape_cast %get3A_326 : vector<1x1x16xf32> to vector<16xf32>
        %add3A_328 = arith.addf %scan3A_269, %get3A_327 : vector<16xf32>
        %swap3A_329 = arith.constant 0 : i32
        %swap3A_330 = arith.index_cast %swap3A_329 : i32 to index
        %swap3A_331 = arith.index_cast %scan3A_265 : i32 to index
        %swap3A_332 = arith.constant 48 : index
        %swap3A_333 = tpu.vector_load %arg5[%swap3A_330, %swap3A_331, %swap3A_332] {strides = array<i32>} : memref<2x64x256xf32, #tpu.memory_space<vmem>>, vector<1x1x16xf32>,
        %swap3A_334 = vector.shape_cast %swap3A_333 : vector<1x1x16xf32> to vector<16xf32>
        %swap3A_335 = vector.shape_cast %add3A_328 : vector<16xf32> to vector<1x1x16xf32>
        tpu.vector_store %arg5[%swap3A_330, %swap3A_331, %swap3A_332], %swap3A_335 {strides = array<i32>} : memref<2x64x256xf32, #tpu.memory_space<vmem>>, vector<1x1x16xf32>,
        %get3A_336 = arith.constant 0 : i32
        %get3A_337 = arith.index_cast %get3A_336 : i32 to index
        %get3A_338 = arith.index_cast %scan3A_265 : i32 to index
        %get3A_339 = arith.constant 64 : index
        %get3A_340 = tpu.vector_load %arg4[%get3A_337, %get3A_338, %get3A_339] {strides = array<i32>} : memref<2x64x256xf32, #tpu.memory_space<vmem>>, vector<1x1x16xf32>,
        %get3A_341 = vector.shape_cast %get3A_340 : vector<1x1x16xf32> to vector<16xf32>
        %add3A_342 = arith.addf %scan3A_270, %get3A_341 : vector<16xf32>
        %swap3A_343 = arith.constant 0 : i32
        %swap3A_344 = arith.index_cast %swap3A_343 : i32 to index
        %swap3A_345 = arith.index_cast %scan3A_265 : i32 to index
        %swap3A_346 = arith.constant 64 : index
        %swap3A_347 = tpu.vector_load %arg5[%swap3A_344, %swap3A_345, %swap3A_346] {strides = array<i32>} : memref<2x64x256xf32, #tpu.memory_space<vmem>>, vector<1x1x16xf32>,
        %swap3A_348 = vector.shape_cast %swap3A_347 : vector<1x1x16xf32> to vector<16xf32>
        %swap3A_349 = vector.shape_cast %add3A_342 : vector<16xf32> to vector<1x1x16xf32>
        tpu.vector_store %arg5[%swap3A_344, %swap3A_345, %swap3A_346], %swap3A_349 {strides = array<i32>} : memref<2x64x256xf32, #tpu.memory_space<vmem>>, vector<1x1x16xf32>,
        %get3A_350 = arith.constant 0 : i32
        %get3A_351 = arith.index_cast %get3A_350 : i32 to index
        %get3A_352 = arith.index_cast %scan3A_265 : i32 to index
        %get3A_353 = arith.constant 80 : index
        %get3A_354 = tpu.vector_load %arg4[%get3A_351, %get3A_352, %get3A_353] {strides = array<i32>} : memref<2x64x256xf32, #tpu.memory_space<vmem>>, vector<1x1x16xf32>,
        %get3A_355 = vector.shape_cast %get3A_354 : vector<1x1x16xf32> to vector<16xf32>
        %add3A_356 = arith.addf %scan3A_271, %get3A_355 : vector<16xf32>
        %swap3A_357 = arith.constant 0 : i32
        %swap3A_358 = arith.index_cast %swap3A_357 : i32 to index
        %swap3A_359 = arith.index_cast %scan3A_265 : i32 to index
        %swap3A_360 = arith.constant 80 : index
        %swap3A_361 = tpu.vector_load %arg5[%swap3A_358, %swap3A_359, %swap3A_360] {strides = array<i32>} : memref<2x64x256xf32, #tpu.memory_space<vmem>>, vector<1x1x16xf32>,
        %swap3A_362 = vector.shape_cast %swap3A_361 : vector<1x1x16xf32> to vector<16xf32>
        %swap3A_363 = vector.shape_cast %add3A_356 : vector<16xf32> to vector<1x1x16xf32>
        tpu.vector_store %arg5[%swap3A_358, %swap3A_359, %swap3A_360], %swap3A_363 {strides = array<i32>} : memref<2x64x256xf32, #tpu.memory_space<vmem>>, vector<1x1x16xf32>,
        %get3A_364 = arith.constant 0 : i32
        %get3A_365 = arith.index_cast %get3A_364 : i32 to index
        %get3A_366 = arith.index_cast %scan3A_265 : i32 to index
        %get3A_367 = arith.constant 96 : index
        %get3A_368 = tpu.vector_load %arg4[%get3A_365, %get3A_366, %get3A_367] {strides = array<i32>} : memref<2x64x256xf32, #tpu.memory_space<vmem>>, vector<1x1x16xf32>,
        %get3A_369 = vector.shape_cast %get3A_368 : vector<1x1x16xf32> to vector<16xf32>
        %add3A_370 = arith.addf %scan3A_272, %get3A_369 : vector<16xf32>
        %swap3A_371 = arith.constant 0 : i32
        %swap3A_372 = arith.index_cast %swap3A_371 : i32 to index
        %swap3A_373 = arith.index_cast %scan3A_265 : i32 to index
        %swap3A_374 = arith.constant 96 : index
        %swap3A_375 = tpu.vector_load %arg5[%swap3A_372, %swap3A_373, %swap3A_374] {strides = array<i32>} : memref<2x64x256xf32, #tpu.memory_space<vmem>>, vector<1x1x16xf32>,
        %swap3A_376 = vector.shape_cast %swap3A_375 : vector<1x1x16xf32> to vector<16xf32>
        %swap3A_377 = vector.shape_cast %add3A_370 : vector<16xf32> to vector<1x1x16xf32>
        tpu.vector_store %arg5[%swap3A_372, %swap3A_373, %swap3A_374], %swap3A_377 {strides = array<i32>} : memref<2x64x256xf32, #tpu.memory_space<vmem>>, vector<1x1x16xf32>,
        %get3A_378 = arith.constant 0 : i32
        %get3A_379 = arith.index_cast %get3A_378 : i32 to index
        %get3A_380 = arith.index_cast %scan3A_265 : i32 to index
        %get3A_381 = arith.constant 112 : index
        %get3A_382 = tpu.vector_load %arg4[%get3A_379, %get3A_380, %get3A_381] {strides = array<i32>} : memref<2x64x256xf32, #tpu.memory_space<vmem>>, vector<1x1x16xf32>,
        %get3A_383 = vector.shape_cast %get3A_382 : vector<1x1x16xf32> to vector<16xf32>
        %add3A_384 = arith.addf %scan3A_273, %get3A_383 : vector<16xf32>
        %swap3A_385 = arith.constant 0 : i32
        %swap3A_386 = arith.index_cast %swap3A_385 : i32 to index
        %swap3A_387 = arith.index_cast %scan3A_265 : i32 to index
        %swap3A_388 = arith.constant 112 : index
        %swap3A_389 = tpu.vector_load %arg5[%swap3A_386, %swap3A_387, %swap3A_388] {strides = array<i32>} : memref<2x64x256xf32, #tpu.memory_space<vmem>>, vector<1x1x16xf32>,
        %swap3A_390 = vector.shape_cast %swap3A_389 : vector<1x1x16xf32> to vector<16xf32>
        %swap3A_391 = vector.shape_cast %add3A_384 : vector<16xf32> to vector<1x1x16xf32>
        tpu.vector_store %arg5[%swap3A_386, %swap3A_387, %swap3A_388], %swap3A_391 {strides = array<i32>} : memref<2x64x256xf32, #tpu.memory_space<vmem>>, vector<1x1x16xf32>,
        %get3A_392 = arith.constant 0 : i32
        %get3A_393 = arith.index_cast %get3A_392 : i32 to index
        %get3A_394 = arith.index_cast %scan3A_265 : i32 to index
        %get3A_395 = arith.constant 128 : index
        %get3A_396 = tpu.vector_load %arg4[%get3A_393, %get3A_394, %get3A_395] {strides = array<i32>} : memref<2x64x256xf32, #tpu.memory_space<vmem>>, vector<1x1x16xf32>,
        %get3A_397 = vector.shape_cast %get3A_396 : vector<1x1x16xf32> to vector<16xf32>
        %add3A_398 = arith.addf %scan3A_274, %get3A_397 : vector<16xf32>
        %swap3A_399 = arith.constant 0 : i32
        %swap3A_400 = arith.index_cast %swap3A_399 : i32 to index
        %swap3A_401 = arith.index_cast %scan3A_265 : i32 to index
        %swap3A_402 = arith.constant 128 : index
        %swap3A_403 = tpu.vector_load %arg5[%swap3A_400, %swap3A_401, %swap3A_402] {strides = array<i32>} : memref<2x64x256xf32, #tpu.memory_space<vmem>>, vector<1x1x16xf32>,
        %swap3A_404 = vector.shape_cast %swap3A_403 : vector<1x1x16xf32> to vector<16xf32>
        %swap3A_405 = vector.shape_cast %add3A_398 : vector<16xf32> to vector<1x1x16xf32>
        tpu.vector_store %arg5[%swap3A_400, %swap3A_401, %swap3A_402], %swap3A_405 {strides = array<i32>} : memref<2x64x256xf32, #tpu.memory_space<vmem>>, vector<1x1x16xf32>,
        %get3A_406 = arith.constant 0 : i32
        %get3A_407 = arith.index_cast %get3A_406 : i32 to index
        %get3A_408 = arith.index_cast %scan3A_265 : i32 to index
        %get3A_409 = arith.constant 144 : index
        %get3A_410 = tpu.vector_load %arg4[%get3A_407, %get3A_408, %get3A_409] {strides = array<i32>} : memref<2x64x256xf32, #tpu.memory_space<vmem>>, vector<1x1x16xf32>,
        %get3A_411 = vector.shape_cast %get3A_410 : vector<1x1x16xf32> to vector<16xf32>
        %add3A_412 = arith.addf %scan3A_275, %get3A_411 : vector<16xf32>
        %swap3A_413 = arith.constant 0 : i32
        %swap3A_414 = arith.index_cast %swap3A_413 : i32 to index
        %swap3A_415 = arith.index_cast %scan3A_265 : i32 to index
        %swap3A_416 = arith.constant 144 : index
        %swap3A_417 = tpu.vector_load %arg5[%swap3A_414, %swap3A_415, %swap3A_416] {strides = array<i32>} : memref<2x64x256xf32, #tpu.memory_space<vmem>>, vector<1x1x16xf32>,
        %swap3A_418 = vector.shape_cast %swap3A_417 : vector<1x1x16xf32> to vector<16xf32>
        %swap3A_419 = vector.shape_cast %add3A_412 : vector<16xf32> to vector<1x1x16xf32>
        tpu.vector_store %arg5[%swap3A_414, %swap3A_415, %swap3A_416], %swap3A_419 {strides = array<i32>} : memref<2x64x256xf32, #tpu.memory_space<vmem>>, vector<1x1x16xf32>,
        %get3A_420 = arith.constant 0 : i32
        %get3A_421 = arith.index_cast %get3A_420 : i32 to index
        %get3A_422 = arith.index_cast %scan3A_265 : i32 to index
        %get3A_423 = arith.constant 160 : index
        %get3A_424 = tpu.vector_load %arg4[%get3A_421, %get3A_422, %get3A_423] {strides = array<i32>} : memref<2x64x256xf32, #tpu.memory_space<vmem>>, vector<1x1x16xf32>,
        %get3A_425 = vector.shape_cast %get3A_424 : vector<1x1x16xf32> to vector<16xf32>
        %add3A_426 = arith.addf %scan3A_276, %get3A_425 : vector<16xf32>
        %swap3A_427 = arith.constant 0 : i32
        %swap3A_428 = arith.index_cast %swap3A_427 : i32 to index
        %swap3A_429 = arith.index_cast %scan3A_265 : i32 to index
        %swap3A_430 = arith.constant 160 : index
        %swap3A_431 = tpu.vector_load %arg5[%swap3A_428, %swap3A_429, %swap3A_430] {strides = array<i32>} : memref<2x64x256xf32, #tpu.memory_space<vmem>>, vector<1x1x16xf32>,
        %swap3A_432 = vector.shape_cast %swap3A_431 : vector<1x1x16xf32> to vector<16xf32>
        %swap3A_433 = vector.shape_cast %add3A_426 : vector<16xf32> to vector<1x1x16xf32>
        tpu.vector_store %arg5[%swap3A_428, %swap3A_429, %swap3A_430], %swap3A_433 {strides = array<i32>} : memref<2x64x256xf32, #tpu.memory_space<vmem>>, vector<1x1x16xf32>,
        %get3A_434 = arith.constant 0 : i32
        %get3A_435 = arith.index_cast %get3A_434 : i32 to index
        %get3A_436 = arith.index_cast %scan3A_265 : i32 to index
        %get3A_437 = arith.constant 176 : index
        %get3A_438 = tpu.vector_load %arg4[%get3A_435, %get3A_436, %get3A_437] {strides = array<i32>} : memref<2x64x256xf32, #tpu.memory_space<vmem>>, vector<1x1x16xf32>,
        %get3A_439 = vector.shape_cast %get3A_438 : vector<1x1x16xf32> to vector<16xf32>
        %add3A_440 = arith.addf %scan3A_277, %get3A_439 : vector<16xf32>
        %swap3A_441 = arith.constant 0 : i32
        %swap3A_442 = arith.index_cast %swap3A_441 : i32 to index
        %swap3A_443 = arith.index_cast %scan3A_265 : i32 to index
        %swap3A_444 = arith.constant 176 : index
        %swap3A_445 = tpu.vector_load %arg5[%swap3A_442, %swap3A_443, %swap3A_444] {strides = array<i32>} : memref<2x64x256xf32, #tpu.memory_space<vmem>>, vector<1x1x16xf32>,
        %swap3A_446 = vector.shape_cast %swap3A_445 : vector<1x1x16xf32> to vector<16xf32>
        %swap3A_447 = vector.shape_cast %add3A_440 : vector<16xf32> to vector<1x1x16xf32>
        tpu.vector_store %arg5[%swap3A_442, %swap3A_443, %swap3A_444], %swap3A_447 {strides = array<i32>} : memref<2x64x256xf32, #tpu.memory_space<vmem>>, vector<1x1x16xf32>,
        %get3A_448 = arith.constant 0 : i32
        %get3A_449 = arith.index_cast %get3A_448 : i32 to index
        %get3A_450 = arith.index_cast %scan3A_265 : i32 to index
        %get3A_451 = arith.constant 192 : index
        %get3A_452 = tpu.vector_load %arg4[%get3A_449, %get3A_450, %get3A_451] {strides = array<i32>} : memref<2x64x256xf32, #tpu.memory_space<vmem>>, vector<1x1x16xf32>,
        %get3A_453 = vector.shape_cast %get3A_452 : vector<1x1x16xf32> to vector<16xf32>
        %add3A_454 = arith.addf %scan3A_278, %get3A_453 : vector<16xf32>
        %swap3A_455 = arith.constant 0 : i32
        %swap3A_456 = arith.index_cast %swap3A_455 : i32 to index
        %swap3A_457 = arith.index_cast %scan3A_265 : i32 to index
        %swap3A_458 = arith.constant 192 : index
        %swap3A_459 = tpu.vector_load %arg5[%swap3A_456, %swap3A_457, %swap3A_458] {strides = array<i32>} : memref<2x64x256xf32, #tpu.memory_space<vmem>>, vector<1x1x16xf32>,
        %swap3A_460 = vector.shape_cast %swap3A_459 : vector<1x1x16xf32> to vector<16xf32>
        %swap3A_461 = vector.shape_cast %add3A_454 : vector<16xf32> to vector<1x1x16xf32>
        tpu.vector_store %arg5[%swap3A_456, %swap3A_457, %swap3A_458], %swap3A_461 {strides = array<i32>} : memref<2x64x256xf32, #tpu.memory_space<vmem>>, vector<1x1x16xf32>,
        %get3A_462 = arith.constant 0 : i32
        %get3A_463 = arith.index_cast %get3A_462 : i32 to index
        %get3A_464 = arith.index_cast %scan3A_265 : i32 to index
        %get3A_465 = arith.constant 208 : index
        %get3A_466 = tpu.vector_load %arg4[%get3A_463, %get3A_464, %get3A_465] {strides = array<i32>} : memref<2x64x256xf32, #tpu.memory_space<vmem>>, vector<1x1x16xf32>,
        %get3A_467 = vector.shape_cast %get3A_466 : vector<1x1x16xf32> to vector<16xf32>
        %add3A_468 = arith.addf %scan3A_279, %get3A_467 : vector<16xf32>
        %swap3A_469 = arith.constant 0 : i32
        %swap3A_470 = arith.index_cast %swap3A_469 : i32 to index
        %swap3A_471 = arith.index_cast %scan3A_265 : i32 to index
        %swap3A_472 = arith.constant 208 : index
        %swap3A_473 = tpu.vector_load %arg5[%swap3A_470, %swap3A_471, %swap3A_472] {strides = array<i32>} : memref<2x64x256xf32, #tpu.memory_space<vmem>>, vector<1x1x16xf32>,
        %swap3A_474 = vector.shape_cast %swap3A_473 : vector<1x1x16xf32> to vector<16xf32>
        %swap3A_475 = vector.shape_cast %add3A_468 : vector<16xf32> to vector<1x1x16xf32>
        tpu.vector_store %arg5[%swap3A_470, %swap3A_471, %swap3A_472], %swap3A_475 {strides = array<i32>} : memref<2x64x256xf32, #tpu.memory_space<vmem>>, vector<1x1x16xf32>,
        %get3A_476 = arith.constant 0 : i32
        %get3A_477 = arith.index_cast %get3A_476 : i32 to index
        %get3A_478 = arith.index_cast %scan3A_265 : i32 to index
        %get3A_479 = arith.constant 224 : index
        %get3A_480 = tpu.vector_load %arg4[%get3A_477, %get3A_478, %get3A_479] {strides = array<i32>} : memref<2x64x256xf32, #tpu.memory_space<vmem>>, vector<1x1x16xf32>,
        %get3A_481 = vector.shape_cast %get3A_480 : vector<1x1x16xf32> to vector<16xf32>
        %add3A_482 = arith.addf %scan3A_280, %get3A_481 : vector<16xf32>
        %swap3A_483 = arith.constant 0 : i32
        %swap3A_484 = arith.index_cast %swap3A_483 : i32 to index
        %swap3A_485 = arith.index_cast %scan3A_265 : i32 to index
        %swap3A_486 = arith.constant 224 : index
        %swap3A_487 = tpu.vector_load %arg5[%swap3A_484, %swap3A_485, %swap3A_486] {strides = array<i32>} : memref<2x64x256xf32, #tpu.memory_space<vmem>>, vector<1x1x16xf32>,
        %swap3A_488 = vector.shape_cast %swap3A_487 : vector<1x1x16xf32> to vector<16xf32>
        %swap3A_489 = vector.shape_cast %add3A_482 : vector<16xf32> to vector<1x1x16xf32>
        tpu.vector_store %arg5[%swap3A_484, %swap3A_485, %swap3A_486], %swap3A_489 {strides = array<i32>} : memref<2x64x256xf32, #tpu.memory_space<vmem>>, vector<1x1x16xf32>,
        %get3A_490 = arith.constant 0 : i32
        %get3A_491 = arith.index_cast %get3A_490 : i32 to index
        %get3A_492 = arith.index_cast %scan3A_265 : i32 to index
        %get3A_493 = arith.constant 240 : index
        %get3A_494 = tpu.vector_load %arg4[%get3A_491, %get3A_492, %get3A_493] {strides = array<i32>} : memref<2x64x256xf32, #tpu.memory_space<vmem>>, vector<1x1x16xf32>,
        %get3A_495 = vector.shape_cast %get3A_494 : vector<1x1x16xf32> to vector<16xf32>
        %add3A_496 = arith.addf %scan3A_281, %get3A_495 : vector<16xf32>
        %swap3A_497 = arith.constant 0 : i32
        %swap3A_498 = arith.index_cast %swap3A_497 : i32 to index
        %swap3A_499 = arith.index_cast %scan3A_265 : i32 to index
        %swap3A_500 = arith.constant 240 : index
        %swap3A_501 = tpu.vector_load %arg5[%swap3A_498, %swap3A_499, %swap3A_500] {strides = array<i32>} : memref<2x64x256xf32, #tpu.memory_space<vmem>>, vector<1x1x16xf32>,
        %swap3A_502 = vector.shape_cast %swap3A_501 : vector<1x1x16xf32> to vector<16xf32>
        %swap3A_503 = vector.shape_cast %add3A_496 : vector<16xf32> to vector<1x1x16xf32>
        tpu.vector_store %arg5[%swap3A_498, %swap3A_499, %swap3A_500], %swap3A_503 {strides = array<i32>} : memref<2x64x256xf32, #tpu.memory_space<vmem>>, vector<1x1x16xf32>,
        %scan3A_504 = arith.constant 1 : i32
        %scan3A_505 = arith.addi %scan3A_265, %scan3A_504 : i32
        %get3A_506 = arith.constant 0 : i32
        %get3A_507 = arith.index_cast %get3A_506 : i32 to index
        %get3A_508 = arith.index_cast %scan3A_505 : i32 to index
        %get3A_509 = arith.constant 0 : index
        %get3A_510 = tpu.vector_load %arg4[%get3A_507, %get3A_508, %get3A_509] {strides = array<i32>} : memref<2x64x256xf32, #tpu.memory_space<vmem>>, vector<1x1x16xf32>,
        %get3A_511 = vector.shape_cast %get3A_510 : vector<1x1x16xf32> to vector<16xf32>
        %add3A_512 = arith.addf %add3A_287, %get3A_511 : vector<16xf32>
        %swap3A_513 = arith.constant 0 : i32
        %swap3A_514 = arith.index_cast %swap3A_513 : i32 to index
        %swap3A_515 = arith.index_cast %scan3A_505 : i32 to index
        %swap3A_516 = arith.constant 0 : index
        %swap3A_517 = tpu.vector_load %arg5[%swap3A_514, %swap3A_515, %swap3A_516] {strides = array<i32>} : memref<2x64x256xf32, #tpu.memory_space<vmem>>, vector<1x1x16xf32>,
        %swap3A_518 = vector.shape_cast %swap3A_517 : vector<1x1x16xf32> to vector<16xf32>
        %swap3A_519 = vector.shape_cast %add3A_512 : vector<16xf32> to vector<1x1x16xf32>
        tpu.vector_store %arg5[%swap3A_514, %swap3A_515, %swap3A_516], %swap3A_519 {strides = array<i32>} : memref<2x64x256xf32, #tpu.memory_space<vmem>>, vector<1x1x16xf32>,
        %get3A_520 = arith.constant 0 : i32
        %get3A_521 = arith.index_cast %get3A_520 : i32 to index
        %get3A_522 = arith.index_cast %scan3A_505 : i32 to index
        %get3A_523 = arith.constant 16 : index
        %get3A_524 = tpu.vector_load %arg4[%get3A_521, %get3A_522, %get3A_523] {strides = array<i32>} : memref<2x64x256xf32, #tpu.memory_space<vmem>>, vector<1x1x16xf32>,
        %get3A_525 = vector.shape_cast %get3A_524 : vector<1x1x16xf32> to vector<16xf32>
        %add3A_526 = arith.addf %add3A_300, %get3A_525 : vector<16xf32>
        %swap3A_527 = arith.constant 0 : i32
        %swap3A_528 = arith.index_cast %swap3A_527 : i32 to index
        %swap3A_529 = arith.index_cast %scan3A_505 : i32 to index
        %swap3A_530 = arith.constant 16 : index
        %swap3A_531 = tpu.vector_load %arg5[%swap3A_528, %swap3A_529, %swap3A_530] {strides = array<i32>} : memref<2x64x256xf32, #tpu.memory_space<vmem>>, vector<1x1x16xf32>,
        %swap3A_532 = vector.shape_cast %swap3A_531 : vector<1x1x16xf32> to vector<16xf32>
        %swap3A_533 = vector.shape_cast %add3A_526 : vector<16xf32> to vector<1x1x16xf32>
        tpu.vector_store %arg5[%swap3A_528, %swap3A_529, %swap3A_530], %swap3A_533 {strides = array<i32>} : memref<2x64x256xf32, #tpu.memory_space<vmem>>, vector<1x1x16xf32>,
        %get3A_534 = arith.constant 0 : i32
        %get3A_535 = arith.index_cast %get3A_534 : i32 to index
        %get3A_536 = arith.index_cast %scan3A_505 : i32 to index
        %get3A_537 = arith.constant 32 : index
        %get3A_538 = tpu.vector_load %arg4[%get3A_535, %get3A_536, %get3A_537] {strides = array<i32>} : memref<2x64x256xf32, #tpu.memory_space<vmem>>, vector<1x1x16xf32>,
        %get3A_539 = vector.shape_cast %get3A_538 : vector<1x1x16xf32> to vector<16xf32>
        %add3A_540 = arith.addf %add3A_314, %get3A_539 : vector<16xf32>
        %swap3A_541 = arith.constant 0 : i32
        %swap3A_542 = arith.index_cast %swap3A_541 : i32 to index
        %swap3A_543 = arith.index_cast %scan3A_505 : i32 to index
        %swap3A_544 = arith.constant 32 : index
        %swap3A_545 = tpu.vector_load %arg5[%swap3A_542, %swap3A_543, %swap3A_544] {strides = array<i32>} : memref<2x64x256xf32, #tpu.memory_space<vmem>>, vector<1x1x16xf32>,
        %swap3A_546 = vector.shape_cast %swap3A_545 : vector<1x1x16xf32> to vector<16xf32>
        %swap3A_547 = vector.shape_cast %add3A_540 : vector<16xf32> to vector<1x1x16xf32>
        tpu.vector_store %arg5[%swap3A_542, %swap3A_543, %swap3A_544], %swap3A_547 {strides = array<i32>} : memref<2x64x256xf32, #tpu.memory_space<vmem>>, vector<1x1x16xf32>,
        %get3A_548 = arith.constant 0 : i32
        %get3A_549 = arith.index_cast %get3A_548 : i32 to index
        %get3A_550 = arith.index_cast %scan3A_505 : i32 to index
        %get3A_551 = arith.constant 48 : index
        %get3A_552 = tpu.vector_load %arg4[%get3A_549, %get3A_550, %get3A_551] {strides = array<i32>} : memref<2x64x256xf32, #tpu.memory_space<vmem>>, vector<1x1x16xf32>,
        %get3A_553 = vector.shape_cast %get3A_552 : vector<1x1x16xf32> to vector<16xf32>
        %add3A_554 = arith.addf %add3A_328, %get3A_553 : vector<16xf32>
        %swap3A_555 = arith.constant 0 : i32
        %swap3A_556 = arith.index_cast %swap3A_555 : i32 to index
        %swap3A_557 = arith.index_cast %scan3A_505 : i32 to index
        %swap3A_558 = arith.constant 48 : index
        %swap3A_559 = tpu.vector_load %arg5[%swap3A_556, %swap3A_557, %swap3A_558] {strides = array<i32>} : memref<2x64x256xf32, #tpu.memory_space<vmem>>, vector<1x1x16xf32>,
        %swap3A_560 = vector.shape_cast %swap3A_559 : vector<1x1x16xf32> to vector<16xf32>
        %swap3A_561 = vector.shape_cast %add3A_554 : vector<16xf32> to vector<1x1x16xf32>
        tpu.vector_store %arg5[%swap3A_556, %swap3A_557, %swap3A_558], %swap3A_561 {strides = array<i32>} : memref<2x64x256xf32, #tpu.memory_space<vmem>>, vector<1x1x16xf32>,
        %get3A_562 = arith.constant 0 : i32
        %get3A_563 = arith.index_cast %get3A_562 : i32 to index
        %get3A_564 = arith.index_cast %scan3A_505 : i32 to index
        %get3A_565 = arith.constant 64 : index
        %get3A_566 = tpu.vector_load %arg4[%get3A_563, %get3A_564, %get3A_565] {strides = array<i32>} : memref<2x64x256xf32, #tpu.memory_space<vmem>>, vector<1x1x16xf32>,
        %get3A_567 = vector.shape_cast %get3A_566 : vector<1x1x16xf32> to vector<16xf32>
        %add3A_568 = arith.addf %add3A_342, %get3A_567 : vector<16xf32>
        %swap3A_569 = arith.constant 0 : i32
        %swap3A_570 = arith.index_cast %swap3A_569 : i32 to index
        %swap3A_571 = arith.index_cast %scan3A_505 : i32 to index
        %swap3A_572 = arith.constant 64 : index
        %swap3A_573 = tpu.vector_load %arg5[%swap3A_570, %swap3A_571, %swap3A_572] {strides = array<i32>} : memref<2x64x256xf32, #tpu.memory_space<vmem>>, vector<1x1x16xf32>,
        %swap3A_574 = vector.shape_cast %swap3A_573 : vector<1x1x16xf32> to vector<16xf32>
        %swap3A_575 = vector.shape_cast %add3A_568 : vector<16xf32> to vector<1x1x16xf32>
        tpu.vector_store %arg5[%swap3A_570, %swap3A_571, %swap3A_572], %swap3A_575 {strides = array<i32>} : memref<2x64x256xf32, #tpu.memory_space<vmem>>, vector<1x1x16xf32>,
        %get3A_576 = arith.constant 0 : i32
        %get3A_577 = arith.index_cast %get3A_576 : i32 to index
        %get3A_578 = arith.index_cast %scan3A_505 : i32 to index
        %get3A_579 = arith.constant 80 : index
        %get3A_580 = tpu.vector_load %arg4[%get3A_577, %get3A_578, %get3A_579] {strides = array<i32>} : memref<2x64x256xf32, #tpu.memory_space<vmem>>, vector<1x1x16xf32>,
        %get3A_581 = vector.shape_cast %get3A_580 : vector<1x1x16xf32> to vector<16xf32>
        %add3A_582 = arith.addf %add3A_356, %get3A_581 : vector<16xf32>
        %swap3A_583 = arith.constant 0 : i32
        %swap3A_584 = arith.index_cast %swap3A_583 : i32 to index
        %swap3A_585 = arith.index_cast %scan3A_505 : i32 to index
        %swap3A_586 = arith.constant 80 : index
        %swap3A_587 = tpu.vector_load %arg5[%swap3A_584, %swap3A_585, %swap3A_586] {strides = array<i32>} : memref<2x64x256xf32, #tpu.memory_space<vmem>>, vector<1x1x16xf32>,
        %swap3A_588 = vector.shape_cast %swap3A_587 : vector<1x1x16xf32> to vector<16xf32>
        %swap3A_589 = vector.shape_cast %add3A_582 : vector<16xf32> to vector<1x1x16xf32>
        tpu.vector_store %arg5[%swap3A_584, %swap3A_585, %swap3A_586], %swap3A_589 {strides = array<i32>} : memref<2x64x256xf32, #tpu.memory_space<vmem>>, vector<1x1x16xf32>,
        %get3A_590 = arith.constant 0 : i32
        %get3A_591 = arith.index_cast %get3A_590 : i32 to index
        %get3A_592 = arith.index_cast %scan3A_505 : i32 to index
        %get3A_593 = arith.constant 96 : index
        %get3A_594 = tpu.vector_load %arg4[%get3A_591, %get3A_592, %get3A_593] {strides = array<i32>} : memref<2x64x256xf32, #tpu.memory_space<vmem>>, vector<1x1x16xf32>,
        %get3A_595 = vector.shape_cast %get3A_594 : vector<1x1x16xf32> to vector<16xf32>
        %add3A_596 = arith.addf %add3A_370, %get3A_595 : vector<16xf32>
        %swap3A_597 = arith.constant 0 : i32
        %swap3A_598 = arith.index_cast %swap3A_597 : i32 to index
        %swap3A_599 = arith.index_cast %scan3A_505 : i32 to index
        %swap3A_600 = arith.constant 96 : index
        %swap3A_601 = tpu.vector_load %arg5[%swap3A_598, %swap3A_599, %swap3A_600] {strides = array<i32>} : memref<2x64x256xf32, #tpu.memory_space<vmem>>, vector<1x1x16xf32>,
        %swap3A_602 = vector.shape_cast %swap3A_601 : vector<1x1x16xf32> to vector<16xf32>
        %swap3A_603 = vector.shape_cast %add3A_596 : vector<16xf32> to vector<1x1x16xf32>
        tpu.vector_store %arg5[%swap3A_598, %swap3A_599, %swap3A_600], %swap3A_603 {strides = array<i32>} : memref<2x64x256xf32, #tpu.memory_space<vmem>>, vector<1x1x16xf32>,
        %get3A_604 = arith.constant 0 : i32
        %get3A_605 = arith.index_cast %get3A_604 : i32 to index
        %get3A_606 = arith.index_cast %scan3A_505 : i32 to index
        %get3A_607 = arith.constant 112 : index
        %get3A_608 = tpu.vector_load %arg4[%get3A_605, %get3A_606, %get3A_607] {strides = array<i32>} : memref<2x64x256xf32, #tpu.memory_space<vmem>>, vector<1x1x16xf32>,
        %get3A_609 = vector.shape_cast %get3A_608 : vector<1x1x16xf32> to vector<16xf32>
        %add3A_610 = arith.addf %add3A_384, %get3A_609 : vector<16xf32>
        %swap3A_611 = arith.constant 0 : i32
        %swap3A_612 = arith.index_cast %swap3A_611 : i32 to index
        %swap3A_613 = arith.index_cast %scan3A_505 : i32 to index
        %swap3A_614 = arith.constant 112 : index
        %swap3A_615 = tpu.vector_load %arg5[%swap3A_612, %swap3A_613, %swap3A_614] {strides = array<i32>} : memref<2x64x256xf32, #tpu.memory_space<vmem>>, vector<1x1x16xf32>,
        %swap3A_616 = vector.shape_cast %swap3A_615 : vector<1x1x16xf32> to vector<16xf32>
        %swap3A_617 = vector.shape_cast %add3A_610 : vector<16xf32> to vector<1x1x16xf32>
        tpu.vector_store %arg5[%swap3A_612, %swap3A_613, %swap3A_614], %swap3A_617 {strides = array<i32>} : memref<2x64x256xf32, #tpu.memory_space<vmem>>, vector<1x1x16xf32>,
        %get3A_618 = arith.constant 0 : i32
        %get3A_619 = arith.index_cast %get3A_618 : i32 to index
        %get3A_620 = arith.index_cast %scan3A_505 : i32 to index
        %get3A_621 = arith.constant 128 : index
        %get3A_622 = tpu.vector_load %arg4[%get3A_619, %get3A_620, %get3A_621] {strides = array<i32>} : memref<2x64x256xf32, #tpu.memory_space<vmem>>, vector<1x1x16xf32>,
        %get3A_623 = vector.shape_cast %get3A_622 : vector<1x1x16xf32> to vector<16xf32>
        %add3A_624 = arith.addf %add3A_398, %get3A_623 : vector<16xf32>
        %swap3A_625 = arith.constant 0 : i32
        %swap3A_626 = arith.index_cast %swap3A_625 : i32 to index
        %swap3A_627 = arith.index_cast %scan3A_505 : i32 to index
        %swap3A_628 = arith.constant 128 : index
        %swap3A_629 = tpu.vector_load %arg5[%swap3A_626, %swap3A_627, %swap3A_628] {strides = array<i32>} : memref<2x64x256xf32, #tpu.memory_space<vmem>>, vector<1x1x16xf32>,
        %swap3A_630 = vector.shape_cast %swap3A_629 : vector<1x1x16xf32> to vector<16xf32>
        %swap3A_631 = vector.shape_cast %add3A_624 : vector<16xf32> to vector<1x1x16xf32>
        tpu.vector_store %arg5[%swap3A_626, %swap3A_627, %swap3A_628], %swap3A_631 {strides = array<i32>} : memref<2x64x256xf32, #tpu.memory_space<vmem>>, vector<1x1x16xf32>,
        %get3A_632 = arith.constant 0 : i32
        %get3A_633 = arith.index_cast %get3A_632 : i32 to index
        %get3A_634 = arith.index_cast %scan3A_505 : i32 to index
        %get3A_635 = arith.constant 144 : index
        %get3A_636 = tpu.vector_load %arg4[%get3A_633, %get3A_634, %get3A_635] {strides = array<i32>} : memref<2x64x256xf32, #tpu.memory_space<vmem>>, vector<1x1x16xf32>,
        %get3A_637 = vector.shape_cast %get3A_636 : vector<1x1x16xf32> to vector<16xf32>
        %add3A_638 = arith.addf %add3A_412, %get3A_637 : vector<16xf32>
        %swap3A_639 = arith.constant 0 : i32
        %swap3A_640 = arith.index_cast %swap3A_639 : i32 to index
        %swap3A_641 = arith.index_cast %scan3A_505 : i32 to index
        %swap3A_642 = arith.constant 144 : index
        %swap3A_643 = tpu.vector_load %arg5[%swap3A_640, %swap3A_641, %swap3A_642] {strides = array<i32>} : memref<2x64x256xf32, #tpu.memory_space<vmem>>, vector<1x1x16xf32>,
        %swap3A_644 = vector.shape_cast %swap3A_643 : vector<1x1x16xf32> to vector<16xf32>
        %swap3A_645 = vector.shape_cast %add3A_638 : vector<16xf32> to vector<1x1x16xf32>
        tpu.vector_store %arg5[%swap3A_640, %swap3A_641, %swap3A_642], %swap3A_645 {strides = array<i32>} : memref<2x64x256xf32, #tpu.memory_space<vmem>>, vector<1x1x16xf32>,
        %get3A_646 = arith.constant 0 : i32
        %get3A_647 = arith.index_cast %get3A_646 : i32 to index
        %get3A_648 = arith.index_cast %scan3A_505 : i32 to index
        %get3A_649 = arith.constant 160 : index
        %get3A_650 = tpu.vector_load %arg4[%get3A_647, %get3A_648, %get3A_649] {strides = array<i32>} : memref<2x64x256xf32, #tpu.memory_space<vmem>>, vector<1x1x16xf32>,
        %get3A_651 = vector.shape_cast %get3A_650 : vector<1x1x16xf32> to vector<16xf32>
        %add3A_652 = arith.addf %add3A_426, %get3A_651 : vector<16xf32>
        %swap3A_653 = arith.constant 0 : i32
        %swap3A_654 = arith.index_cast %swap3A_653 : i32 to index
        %swap3A_655 = arith.index_cast %scan3A_505 : i32 to index
        %swap3A_656 = arith.constant 160 : index
        %swap3A_657 = tpu.vector_load %arg5[%swap3A_654, %swap3A_655, %swap3A_656] {strides = array<i32>} : memref<2x64x256xf32, #tpu.memory_space<vmem>>, vector<1x1x16xf32>,
        %swap3A_658 = vector.shape_cast %swap3A_657 : vector<1x1x16xf32> to vector<16xf32>
        %swap3A_659 = vector.shape_cast %add3A_652 : vector<16xf32> to vector<1x1x16xf32>
        tpu.vector_store %arg5[%swap3A_654, %swap3A_655, %swap3A_656], %swap3A_659 {strides = array<i32>} : memref<2x64x256xf32, #tpu.memory_space<vmem>>, vector<1x1x16xf32>,
        %get3A_660 = arith.constant 0 : i32
        %get3A_661 = arith.index_cast %get3A_660 : i32 to index
        %get3A_662 = arith.index_cast %scan3A_505 : i32 to index
        %get3A_663 = arith.constant 176 : index
        %get3A_664 = tpu.vector_load %arg4[%get3A_661, %get3A_662, %get3A_663] {strides = array<i32>} : memref<2x64x256xf32, #tpu.memory_space<vmem>>, vector<1x1x16xf32>,
        %get3A_665 = vector.shape_cast %get3A_664 : vector<1x1x16xf32> to vector<16xf32>
        %add3A_666 = arith.addf %add3A_440, %get3A_665 : vector<16xf32>
        %swap3A_667 = arith.constant 0 : i32
        %swap3A_668 = arith.index_cast %swap3A_667 : i32 to index
        %swap3A_669 = arith.index_cast %scan3A_505 : i32 to index
        %swap3A_670 = arith.constant 176 : index
        %swap3A_671 = tpu.vector_load %arg5[%swap3A_668, %swap3A_669, %swap3A_670] {strides = array<i32>} : memref<2x64x256xf32, #tpu.memory_space<vmem>>, vector<1x1x16xf32>,
        %swap3A_672 = vector.shape_cast %swap3A_671 : vector<1x1x16xf32> to vector<16xf32>
        %swap3A_673 = vector.shape_cast %add3A_666 : vector<16xf32> to vector<1x1x16xf32>
        tpu.vector_store %arg5[%swap3A_668, %swap3A_669, %swap3A_670], %swap3A_673 {strides = array<i32>} : memref<2x64x256xf32, #tpu.memory_space<vmem>>, vector<1x1x16xf32>,
        %get3A_674 = arith.constant 0 : i32
        %get3A_675 = arith.index_cast %get3A_674 : i32 to index
        %get3A_676 = arith.index_cast %scan3A_505 : i32 to index
        %get3A_677 = arith.constant 192 : index
        %get3A_678 = tpu.vector_load %arg4[%get3A_675, %get3A_676, %get3A_677] {strides = array<i32>} : memref<2x64x256xf32, #tpu.memory_space<vmem>>, vector<1x1x16xf32>,
        %get3A_679 = vector.shape_cast %get3A_678 : vector<1x1x16xf32> to vector<16xf32>
        %add3A_680 = arith.addf %add3A_454, %get3A_679 : vector<16xf32>
        %swap3A_681 = arith.constant 0 : i32
        %swap3A_682 = arith.index_cast %swap3A_681 : i32 to index
        %swap3A_683 = arith.index_cast %scan3A_505 : i32 to index
        %swap3A_684 = arith.constant 192 : index
        %swap3A_685 = tpu.vector_load %arg5[%swap3A_682, %swap3A_683, %swap3A_684] {strides = array<i32>} : memref<2x64x256xf32, #tpu.memory_space<vmem>>, vector<1x1x16xf32>,
        %swap3A_686 = vector.shape_cast %swap3A_685 : vector<1x1x16xf32> to vector<16xf32>
        %swap3A_687 = vector.shape_cast %add3A_680 : vector<16xf32> to vector<1x1x16xf32>
        tpu.vector_store %arg5[%swap3A_682, %swap3A_683, %swap3A_684], %swap3A_687 {strides = array<i32>} : memref<2x64x256xf32, #tpu.memory_space<vmem>>, vector<1x1x16xf32>,
        %get3A_688 = arith.constant 0 : i32
        %get3A_689 = arith.index_cast %get3A_688 : i32 to index
        %get3A_690 = arith.index_cast %scan3A_505 : i32 to index
        %get3A_691 = arith.constant 208 : index
        %get3A_692 = tpu.vector_load %arg4[%get3A_689, %get3A_690, %get3A_691] {strides = array<i32>} : memref<2x64x256xf32, #tpu.memory_space<vmem>>, vector<1x1x16xf32>,
        %get3A_693 = vector.shape_cast %get3A_692 : vector<1x1x16xf32> to vector<16xf32>
        %add3A_694 = arith.addf %add3A_468, %get3A_693 : vector<16xf32>
        %swap3A_695 = arith.constant 0 : i32
        %swap3A_696 = arith.index_cast %swap3A_695 : i32 to index
        %swap3A_697 = arith.index_cast %scan3A_505 : i32 to index
        %swap3A_698 = arith.constant 208 : index
        %swap3A_699 = tpu.vector_load %arg5[%swap3A_696, %swap3A_697, %swap3A_698] {strides = array<i32>} : memref<2x64x256xf32, #tpu.memory_space<vmem>>, vector<1x1x16xf32>,
        %swap3A_700 = vector.shape_cast %swap3A_699 : vector<1x1x16xf32> to vector<16xf32>
        %swap3A_701 = vector.shape_cast %add3A_694 : vector<16xf32> to vector<1x1x16xf32>
        tpu.vector_store %arg5[%swap3A_696, %swap3A_697, %swap3A_698], %swap3A_701 {strides = array<i32>} : memref<2x64x256xf32, #tpu.memory_space<vmem>>, vector<1x1x16xf32>,
        %get3A_702 = arith.constant 0 : i32
        %get3A_703 = arith.index_cast %get3A_702 : i32 to index
        %get3A_704 = arith.index_cast %scan3A_505 : i32 to index
        %get3A_705 = arith.constant 224 : index
        %get3A_706 = tpu.vector_load %arg4[%get3A_703, %get3A_704, %get3A_705] {strides = array<i32>} : memref<2x64x256xf32, #tpu.memory_space<vmem>>, vector<1x1x16xf32>,
        %get3A_707 = vector.shape_cast %get3A_706 : vector<1x1x16xf32> to vector<16xf32>
        %add3A_708 = arith.addf %add3A_482, %get3A_707 : vector<16xf32>
        %swap3A_709 = arith.constant 0 : i32
        %swap3A_710 = arith.index_cast %swap3A_709 : i32 to index
        %swap3A_711 = arith.index_cast %scan3A_505 : i32 to index
        %swap3A_712 = arith.constant 224 : index
        %swap3A_713 = tpu.vector_load %arg5[%swap3A_710, %swap3A_711, %swap3A_712] {strides = array<i32>} : memref<2x64x256xf32, #tpu.memory_space<vmem>>, vector<1x1x16xf32>,
        %swap3A_714 = vector.shape_cast %swap3A_713 : vector<1x1x16xf32> to vector<16xf32>
        %swap3A_715 = vector.shape_cast %add3A_708 : vector<16xf32> to vector<1x1x16xf32>
        tpu.vector_store %arg5[%swap3A_710, %swap3A_711, %swap3A_712], %swap3A_715 {strides = array<i32>} : memref<2x64x256xf32, #tpu.memory_space<vmem>>, vector<1x1x16xf32>,
        %get3A_716 = arith.constant 0 : i32
        %get3A_717 = arith.index_cast %get3A_716 : i32 to index
        %get3A_718 = arith.index_cast %scan3A_505 : i32 to index
        %get3A_719 = arith.constant 240 : index
        %get3A_720 = tpu.vector_load %arg4[%get3A_717, %get3A_718, %get3A_719] {strides = array<i32>} : memref<2x64x256xf32, #tpu.memory_space<vmem>>, vector<1x1x16xf32>,
        %get3A_721 = vector.shape_cast %get3A_720 : vector<1x1x16xf32> to vector<16xf32>
        %add3A_722 = arith.addf %add3A_496, %get3A_721 : vector<16xf32>
        %swap3A_723 = arith.constant 0 : i32
        %swap3A_724 = arith.index_cast %swap3A_723 : i32 to index
        %swap3A_725 = arith.index_cast %scan3A_505 : i32 to index
        %swap3A_726 = arith.constant 240 : index
        %swap3A_727 = tpu.vector_load %arg5[%swap3A_724, %swap3A_725, %swap3A_726] {strides = array<i32>} : memref<2x64x256xf32, #tpu.memory_space<vmem>>, vector<1x1x16xf32>,
        %swap3A_728 = vector.shape_cast %swap3A_727 : vector<1x1x16xf32> to vector<16xf32>
        %swap3A_729 = vector.shape_cast %add3A_722 : vector<16xf32> to vector<1x1x16xf32>
        tpu.vector_store %arg5[%swap3A_724, %swap3A_725, %swap3A_726], %swap3A_729 {strides = array<i32>} : memref<2x64x256xf32, #tpu.memory_space<vmem>>, vector<1x1x16xf32>,
        scf.yield %add3A_512, %add3A_526, %add3A_540, %add3A_554, %add3A_568, %add3A_582, %add3A_596, %add3A_610, %add3A_624, %add3A_638, %add3A_652, %add3A_666, %add3A_680, %add3A_694, %add3A_708, %add3A_722 : vector<16xf32>, vector<16xf32>, vector<16xf32>, vector<16xf32>, vector<16xf32>, vector<16xf32>, vector<16xf32>, vector<16xf32>, vector<16xf32>, vector<16xf32>, vector<16xf32>, vector<16xf32>, vector<16xf32>, vector<16xf32>, vector<16xf32>, vector<16xf32>
      }
      %scan3A_185 = arith.constant 64 : i32
      %mul3A_186 = arith.constant 64 : i32
      %mul3A_187 = arith.muli %add3A_159, %mul3A_186 : i32
      %dma_start3A_188 = arith.constant 0 : i32
      %dma_start3A_189 = arith.constant 0 : i32
      %dma_start3A_190 = arith.constant 0 : i32
      %dma_start3A_191 = arith.constant 0 : i32
      %dma_start3A_192 = tpu.memref_slice %arg5[%dma_start3A_188, %dma_start3A_190, %dma_start3A_191] : memref<2x64x256xf32, #tpu.memory_space<vmem>> -> memref<1x64x256xf32, #tpu.memory_space<vmem>>
      %dma_start3A_193 = tpu.memref_squeeze %dma_start3A_192 : memref<1x64x256xf32, #tpu.memory_space<vmem>> -> memref<64x256xf32, #tpu.memory_space<vmem>>
      %dma_start3A_194 = tpu.memref_slice %arg3[%select_n3A, %mul3A_187, %mul3A_32] : memref<4x8192x2048xf32, #tpu.memory_space<hbm>> -> memref<1x64x256xf32, #tpu.memory_space<hbm>>
      %dma_start3A_195 = tpu.memref_squeeze %dma_start3A_194 : memref<1x64x256xf32, #tpu.memory_space<hbm>> -> memref<64x256xf32, #tpu.memory_space<hbm>>
      %dma_start3A_196 = tpu.memref_slice %arg7[%dma_start3A_189] : memref<2x!tpu.dma_semaphore, #tpu.memory_space<semaphore_mem>> -> memref<1x!tpu.dma_semaphore, #tpu.memory_space<semaphore_mem>>
      %dma_start3A_197 = tpu.memref_squeeze %dma_start3A_196 : memref<1x!tpu.dma_semaphore, #tpu.memory_space<semaphore_mem>> -> memref<!tpu.dma_semaphore, #tpu.memory_space<semaphore_mem>>
      %dma_start3A_198 = tpu.memref_slice %arg3[%select_n3A, %mul3A_187, %mul3A_32] : memref<4x8192x2048xf32, #tpu.memory_space<hbm>> -> memref<1x64x256xf32, #tpu.memory_space<hbm>>
      %dma_start3A_199 = tpu.memref_squeeze %dma_start3A_198 : memref<1x64x256xf32, #tpu.memory_space<hbm>> -> memref<64x256xf32, #tpu.memory_space<hbm>>
      %dma_start3A_200 = arith.constant 0 : i32
      %dma_start3A_201 = arith.constant 0 : i32
      %dma_start3A_202 = tpu.memref_slice %arg5[%dma_start3A_188, %dma_start3A_200, %dma_start3A_201] : memref<2x64x256xf32, #tpu.memory_space<vmem>> -> memref<1x64x256xf32, #tpu.memory_space<vmem>>
      %dma_start3A_203 = tpu.memref_squeeze %dma_start3A_202 : memref<1x64x256xf32, #tpu.memory_space<vmem>> -> memref<64x256xf32, #tpu.memory_space<vmem>>
      tpu.enqueue_dma source(%dma_start3A_203 : memref<64x256xf32, #tpu.memory_space<vmem>>) target(%dma_start3A_199 : memref<64x256xf32, #tpu.memory_space<hbm>>) target_semaphore(%dma_start3A_197 : memref<!tpu.dma_semaphore, #tpu.memory_space<semaphore_mem>>)
      %lt3A_204 = arith.constant 63 : i32
      %lt3A_205 = arith.cmpi slt, %scan3A_139, %lt3A_204 : i32
      %convert_element_type3A_206 = arith.extui %lt3A_205 : i1 to i32
      %cond3A_207 = arith.constant 0 : i32
      %cond3A_208 = arith.cmpi ne, %convert_element_type3A_206, %cond3A_207 : i32
      scf.if %cond3A_208 {
        %add3A_265 = arith.constant 2 : i32
        %add3A_266 = arith.addi %add3A_159, %add3A_265 : i32
        %mul3A_267 = arith.constant 64 : i32
        %mul3A_268 = arith.muli %add3A_266, %mul3A_267 : i32
        %dma_start3A_269 = arith.constant 0 : i32
        %dma_start3A_270 = arith.constant 0 : i32
        %dma_start3A_271 = arith.constant 0 : i32
        %dma_start3A_272 = arith.constant 0 : i32
        %dma_start3A_273 = tpu.memref_slice %arg4[%dma_start3A_269, %dma_start3A_271, %dma_start3A_272] : memref<2x64x256xf32, #tpu.memory_space<vmem>> -> memref<1x64x256xf32, #tpu.memory_space<vmem>>
        %dma_start3A_274 = tpu.memref_squeeze %dma_start3A_273 : memref<1x64x256xf32, #tpu.memory_space<vmem>> -> memref<64x256xf32, #tpu.memory_space<vmem>>
        %dma_start3A_275 = tpu.memref_slice %arg2[%select_n3A, %mul3A_268, %mul3A_32] : memref<4x8192x2048xf32, #tpu.memory_space<hbm>> -> memref<1x64x256xf32, #tpu.memory_space<hbm>>
        %dma_start3A_276 = tpu.memref_squeeze %dma_start3A_275 : memref<1x64x256xf32, #tpu.memory_space<hbm>> -> memref<64x256xf32, #tpu.memory_space<hbm>>
        %dma_start3A_277 = tpu.memref_slice %arg6[%dma_start3A_270] : memref<2x!tpu.dma_semaphore, #tpu.memory_space<semaphore_mem>> -> memref<1x!tpu.dma_semaphore, #tpu.memory_space<semaphore_mem>>
        %dma_start3A_278 = tpu.memref_squeeze %dma_start3A_277 : memref<1x!tpu.dma_semaphore, #tpu.memory_space<semaphore_mem>> -> memref<!tpu.dma_semaphore, #tpu.memory_space<semaphore_mem>>
        %dma_start3A_279 = arith.constant 0 : i32
        %dma_start3A_280 = arith.constant 0 : i32
        %dma_start3A_281 = tpu.memref_slice %arg4[%dma_start3A_269, %dma_start3A_279, %dma_start3A_280] : memref<2x64x256xf32, #tpu.memory_space<vmem>> -> memref<1x64x256xf32, #tpu.memory_space<vmem>>
        %dma_start3A_282 = tpu.memref_squeeze %dma_start3A_281 : memref<1x64x256xf32, #tpu.memory_space<vmem>> -> memref<64x256xf32, #tpu.memory_space<vmem>>
        %dma_start3A_283 = tpu.memref_slice %arg2[%select_n3A, %mul3A_268, %mul3A_32] : memref<4x8192x2048xf32, #tpu.memory_space<hbm>> -> memref<1x64x256xf32, #tpu.memory_space<hbm>>
        %dma_start3A_284 = tpu.memref_squeeze %dma_start3A_283 : memref<1x64x256xf32, #tpu.memory_space<hbm>> -> memref<64x256xf32, #tpu.memory_space<hbm>>
        tpu.enqueue_dma source(%dma_start3A_284 : memref<64x256xf32, #tpu.memory_space<hbm>>) target(%dma_start3A_282 : memref<64x256xf32, #tpu.memory_space<vmem>>) target_semaphore(%dma_start3A_278 : memref<!tpu.dma_semaphore, #tpu.memory_space<semaphore_mem>>)
      } else {
      }
      %mul3A_209 = arith.constant 2 : i32
      %mul3A_210 = arith.muli %scan3A_139, %mul3A_209 : i32
      %add3A_211 = arith.constant 1 : i32
      %add3A_212 = arith.addi %mul3A_210, %add3A_211 : i32
      %mul3A_213 = arith.constant 64 : i32
      %mul3A_214 = arith.muli %add3A_212, %mul3A_213 : i32
      %dma_wait3A_215 = arith.constant 1 : i32
      %dma_wait3A_216 = arith.constant 1 : i32
      %dma_wait3A_217 = arith.constant 0 : i32
      %dma_wait3A_218 = arith.constant 0 : i32
      %dma_wait3A_219 = tpu.memref_slice %arg4[%dma_wait3A_215, %dma_wait3A_217, %dma_wait3A_218] : memref<2x64x256xf32, #tpu.memory_space<vmem>> -> memref<1x64x256xf32, #tpu.memory_space<vmem>>
      %dma_wait3A_220 = tpu.memref_squeeze %dma_wait3A_219 : memref<1x64x256xf32, #tpu.memory_space<vmem>> -> memref<64x256xf32, #tpu.memory_space<vmem>>
      %dma_wait3A_221 = tpu.memref_slice %arg2[%select_n3A, %mul3A_214, %mul3A_32] : memref<4x8192x2048xf32, #tpu.memory_space<hbm>> -> memref<1x64x256xf32, #tpu.memory_space<hbm>>
      %dma_wait3A_222 = tpu.memref_squeeze %dma_wait3A_221 : memref<1x64x256xf32, #tpu.memory_space<hbm>> -> memref<64x256xf32, #tpu.memory_space<hbm>>
      %dma_wait3A_223 = tpu.memref_slice %arg6[%dma_wait3A_216] : memref<2x!tpu.dma_semaphore, #tpu.memory_space<semaphore_mem>> -> memref<1x!tpu.dma_semaphore, #tpu.memory_space<semaphore_mem>>
      %dma_wait3A_224 = tpu.memref_squeeze %dma_wait3A_223 : memref<1x!tpu.dma_semaphore, #tpu.memory_space<semaphore_mem>> -> memref<!tpu.dma_semaphore, #tpu.memory_space<semaphore_mem>>
      %dma_wait3A_225 = arith.constant 0 : i32
      %dma_wait3A_226 = arith.constant 0 : i32
      %dma_wait3A_227 = tpu.memref_slice %arg4[%dma_wait3A_215, %dma_wait3A_225, %dma_wait3A_226] : memref<2x64x256xf32, #tpu.memory_space<vmem>> -> memref<1x64x256xf32, #tpu.memory_space<vmem>>
      %dma_wait3A_228 = tpu.memref_squeeze %dma_wait3A_227 : memref<1x64x256xf32, #tpu.memory_space<vmem>> -> memref<64x256xf32, #tpu.memory_space<vmem>>
      %dma_wait3A_229 = tpu.memref_slice %arg2[%select_n3A, %mul3A_214, %mul3A_32] : memref<4x8192x2048xf32, #tpu.memory_space<hbm>> -> memref<1x64x256xf32, #tpu.memory_space<hbm>>
      %dma_wait3A_230 = tpu.memref_squeeze %dma_wait3A_229 : memref<1x64x256xf32, #tpu.memory_space<hbm>> -> memref<64x256xf32, #tpu.memory_space<hbm>>
      tpu.wait_dma2 semaphore(%dma_wait3A_224 : memref<!tpu.dma_semaphore, #tpu.memory_space<semaphore_mem>>) src(%dma_wait3A_230 : memref<64x256xf32, #tpu.memory_space<hbm>>) dst(%dma_wait3A_228 : memref<64x256xf32, #tpu.memory_space<vmem>>)
      %gt3A_231 = arith.constant 0 : i32
      %gt3A_232 = arith.cmpi sgt, %scan3A_139, %gt3A_231 : i32
      %convert_element_type3A_233 = arith.extui %gt3A_232 : i1 to i32
      %cond3A_234 = arith.constant 0 : i32
      %cond3A_235 = arith.cmpi ne, %convert_element_type3A_233, %cond3A_234 : i32
      scf.if %cond3A_235 {
        %sub3A_265 = arith.constant 2 : i32
        %sub3A_266 = arith.subi %add3A_212, %sub3A_265 : i32
        %mul3A_267 = arith.constant 64 : i32
        %mul3A_268 = arith.muli %sub3A_266, %mul3A_267 : i32
        %dma_wait3A_269 = arith.constant 1 : i32
        %dma_wait3A_270 = arith.constant 1 : i32
        %dma_wait3A_271 = arith.constant 0 : i32
        %dma_wait3A_272 = arith.constant 0 : i32
        %dma_wait3A_273 = tpu.memref_slice %arg5[%dma_wait3A_269, %dma_wait3A_271, %dma_wait3A_272] : memref<2x64x256xf32, #tpu.memory_space<vmem>> -> memref<1x64x256xf32, #tpu.memory_space<vmem>>
        %dma_wait3A_274 = tpu.memref_squeeze %dma_wait3A_273 : memref<1x64x256xf32, #tpu.memory_space<vmem>> -> memref<64x256xf32, #tpu.memory_space<vmem>>
        %dma_wait3A_275 = tpu.memref_slice %arg3[%select_n3A, %mul3A_268, %mul3A_32] : memref<4x8192x2048xf32, #tpu.memory_space<hbm>> -> memref<1x64x256xf32, #tpu.memory_space<hbm>>
        %dma_wait3A_276 = tpu.memref_squeeze %dma_wait3A_275 : memref<1x64x256xf32, #tpu.memory_space<hbm>> -> memref<64x256xf32, #tpu.memory_space<hbm>>
        %dma_wait3A_277 = tpu.memref_slice %arg7[%dma_wait3A_270] : memref<2x!tpu.dma_semaphore, #tpu.memory_space<semaphore_mem>> -> memref<1x!tpu.dma_semaphore, #tpu.memory_space<semaphore_mem>>
        %dma_wait3A_278 = tpu.memref_squeeze %dma_wait3A_277 : memref<1x!tpu.dma_semaphore, #tpu.memory_space<semaphore_mem>> -> memref<!tpu.dma_semaphore, #tpu.memory_space<semaphore_mem>>
        %dma_wait3A_279 = tpu.memref_slice %arg3[%select_n3A, %mul3A_268, %mul3A_32] : memref<4x8192x2048xf32, #tpu.memory_space<hbm>> -> memref<1x64x256xf32, #tpu.memory_space<hbm>>
        %dma_wait3A_280 = tpu.memref_squeeze %dma_wait3A_279 : memref<1x64x256xf32, #tpu.memory_space<hbm>> -> memref<64x256xf32, #tpu.memory_space<hbm>>
        %dma_wait3A_281 = arith.constant 0 : i32
        %dma_wait3A_282 = arith.constant 0 : i32
        %dma_wait3A_283 = tpu.memref_slice %arg5[%dma_wait3A_269, %dma_wait3A_281, %dma_wait3A_282] : memref<2x64x256xf32, #tpu.memory_space<vmem>> -> memref<1x64x256xf32, #tpu.memory_space<vmem>>
        %dma_wait3A_284 = tpu.memref_squeeze %dma_wait3A_283 : memref<1x64x256xf32, #tpu.memory_space<vmem>> -> memref<64x256xf32, #tpu.memory_space<vmem>>
        tpu.wait_dma2 semaphore(%dma_wait3A_278 : memref<!tpu.dma_semaphore, #tpu.memory_space<semaphore_mem>>) src(%dma_wait3A_284 : memref<64x256xf32, #tpu.memory_space<vmem>>) dst(%dma_wait3A_280 : memref<64x256xf32, #tpu.memory_space<hbm>>)
      } else {
      }
      %scan3A_236 = arith.constant 0 : i32
      %scan3A_237 = arith.constant 64 : i32
      %scan3A_238 = arith.addi %scan3A_236, %scan3A_237 : i32
      %scan3A_239 = arith.constant 2 : i32
      %scan3A_240:16 = scf.for %scan3A_265 = %scan3A_236 to %scan3A_238 step %scan3A_239 iter_args(%scan3A_266 = %scan3A_184#0, %scan3A_267 = %scan3A_184#1, %scan3A_268 = %scan3A_184#2, %scan3A_269 = %scan3A_184#3, %scan3A_270 = %scan3A_184#4, %scan3A_271 = %scan3A_184#5, %scan3A_272 = %scan3A_184#6, %scan3A_273 = %scan3A_184#7, %scan3A_274 = %scan3A_184#8, %scan3A_275 = %scan3A_184#9, %scan3A_276 = %scan3A_184#10, %scan3A_277 = %scan3A_184#11, %scan3A_278 = %scan3A_184#12, %scan3A_279 = %scan3A_184#13, %scan3A_280 = %scan3A_184#14, %scan3A_281 = %scan3A_184#15) -> (vector<16xf32>, vector<16xf32>, vector<16xf32>, vector<16xf32>, vector<16xf32>, vector<16xf32>, vector<16xf32>, vector<16xf32>, vector<16xf32>, vector<16xf32>, vector<16xf32>, vector<16xf32>, vector<16xf32>, vector<16xf32>, vector<16xf32>, vector<16xf32>)  : i32 {
        %get3A = arith.constant 1 : i32
        %get3A_282 = arith.index_cast %get3A : i32 to index
        %get3A_283 = arith.index_cast %scan3A_265 : i32 to index
        %get3A_284 = arith.constant 0 : index
        %get3A_285 = tpu.vector_load %arg4[%get3A_282, %get3A_283, %get3A_284] {strides = array<i32>} : memref<2x64x256xf32, #tpu.memory_space<vmem>>, vector<1x1x16xf32>,
        %get3A_286 = vector.shape_cast %get3A_285 : vector<1x1x16xf32> to vector<16xf32>
        %add3A_287 = arith.addf %scan3A_266, %get3A_286 : vector<16xf32>
        %swap3A = arith.constant 1 : i32
        %swap3A_288 = arith.index_cast %swap3A : i32 to index
        %swap3A_289 = arith.index_cast %scan3A_265 : i32 to index
        %swap3A_290 = arith.constant 0 : index
        %swap3A_291 = tpu.vector_load %arg5[%swap3A_288, %swap3A_289, %swap3A_290] {strides = array<i32>} : memref<2x64x256xf32, #tpu.memory_space<vmem>>, vector<1x1x16xf32>,
        %swap3A_292 = vector.shape_cast %swap3A_291 : vector<1x1x16xf32> to vector<16xf32>
        %swap3A_293 = vector.shape_cast %add3A_287 : vector<16xf32> to vector<1x1x16xf32>
        tpu.vector_store %arg5[%swap3A_288, %swap3A_289, %swap3A_290], %swap3A_293 {strides = array<i32>} : memref<2x64x256xf32, #tpu.memory_space<vmem>>, vector<1x1x16xf32>,
        %get3A_294 = arith.constant 1 : i32
        %get3A_295 = arith.index_cast %get3A_294 : i32 to index
        %get3A_296 = arith.index_cast %scan3A_265 : i32 to index
        %get3A_297 = arith.constant 16 : index
        %get3A_298 = tpu.vector_load %arg4[%get3A_295, %get3A_296, %get3A_297] {strides = array<i32>} : memref<2x64x256xf32, #tpu.memory_space<vmem>>, vector<1x1x16xf32>,
        %get3A_299 = vector.shape_cast %get3A_298 : vector<1x1x16xf32> to vector<16xf32>
        %add3A_300 = arith.addf %scan3A_267, %get3A_299 : vector<16xf32>
        %swap3A_301 = arith.constant 1 : i32
        %swap3A_302 = arith.index_cast %swap3A_301 : i32 to index
        %swap3A_303 = arith.index_cast %scan3A_265 : i32 to index
        %swap3A_304 = arith.constant 16 : index
        %swap3A_305 = tpu.vector_load %arg5[%swap3A_302, %swap3A_303, %swap3A_304] {strides = array<i32>} : memref<2x64x256xf32, #tpu.memory_space<vmem>>, vector<1x1x16xf32>,
        %swap3A_306 = vector.shape_cast %swap3A_305 : vector<1x1x16xf32> to vector<16xf32>
        %swap3A_307 = vector.shape_cast %add3A_300 : vector<16xf32> to vector<1x1x16xf32>
        tpu.vector_store %arg5[%swap3A_302, %swap3A_303, %swap3A_304], %swap3A_307 {strides = array<i32>} : memref<2x64x256xf32, #tpu.memory_space<vmem>>, vector<1x1x16xf32>,
        %get3A_308 = arith.constant 1 : i32
        %get3A_309 = arith.index_cast %get3A_308 : i32 to index
        %get3A_310 = arith.index_cast %scan3A_265 : i32 to index
        %get3A_311 = arith.constant 32 : index
        %get3A_312 = tpu.vector_load %arg4[%get3A_309, %get3A_310, %get3A_311] {strides = array<i32>} : memref<2x64x256xf32, #tpu.memory_space<vmem>>, vector<1x1x16xf32>,
        %get3A_313 = vector.shape_cast %get3A_312 : vector<1x1x16xf32> to vector<16xf32>
        %add3A_314 = arith.addf %scan3A_268, %get3A_313 : vector<16xf32>
        %swap3A_315 = arith.constant 1 : i32
        %swap3A_316 = arith.index_cast %swap3A_315 : i32 to index
        %swap3A_317 = arith.index_cast %scan3A_265 : i32 to index
        %swap3A_318 = arith.constant 32 : index
        %swap3A_319 = tpu.vector_load %arg5[%swap3A_316, %swap3A_317, %swap3A_318] {strides = array<i32>} : memref<2x64x256xf32, #tpu.memory_space<vmem>>, vector<1x1x16xf32>,
        %swap3A_320 = vector.shape_cast %swap3A_319 : vector<1x1x16xf32> to vector<16xf32>
        %swap3A_321 = vector.shape_cast %add3A_314 : vector<16xf32> to vector<1x1x16xf32>
        tpu.vector_store %arg5[%swap3A_316, %swap3A_317, %swap3A_318], %swap3A_321 {strides = array<i32>} : memref<2x64x256xf32, #tpu.memory_space<vmem>>, vector<1x1x16xf32>,
        %get3A_322 = arith.constant 1 : i32
        %get3A_323 = arith.index_cast %get3A_322 : i32 to index
        %get3A_324 = arith.index_cast %scan3A_265 : i32 to index
        %get3A_325 = arith.constant 48 : index
        %get3A_326 = tpu.vector_load %arg4[%get3A_323, %get3A_324, %get3A_325] {strides = array<i32>} : memref<2x64x256xf32, #tpu.memory_space<vmem>>, vector<1x1x16xf32>,
        %get3A_327 = vector.shape_cast %get3A_326 : vector<1x1x16xf32> to vector<16xf32>
        %add3A_328 = arith.addf %scan3A_269, %get3A_327 : vector<16xf32>
        %swap3A_329 = arith.constant 1 : i32
        %swap3A_330 = arith.index_cast %swap3A_329 : i32 to index
        %swap3A_331 = arith.index_cast %scan3A_265 : i32 to index
        %swap3A_332 = arith.constant 48 : index
        %swap3A_333 = tpu.vector_load %arg5[%swap3A_330, %swap3A_331, %swap3A_332] {strides = array<i32>} : memref<2x64x256xf32, #tpu.memory_space<vmem>>, vector<1x1x16xf32>,
        %swap3A_334 = vector.shape_cast %swap3A_333 : vector<1x1x16xf32> to vector<16xf32>
        %swap3A_335 = vector.shape_cast %add3A_328 : vector<16xf32> to vector<1x1x16xf32>
        tpu.vector_store %arg5[%swap3A_330, %swap3A_331, %swap3A_332], %swap3A_335 {strides = array<i32>} : memref<2x64x256xf32, #tpu.memory_space<vmem>>, vector<1x1x16xf32>,
        %get3A_336 = arith.constant 1 : i32
        %get3A_337 = arith.index_cast %get3A_336 : i32 to index
        %get3A_338 = arith.index_cast %scan3A_265 : i32 to index
        %get3A_339 = arith.constant 64 : index
        %get3A_340 = tpu.vector_load %arg4[%get3A_337, %get3A_338, %get3A_339] {strides = array<i32>} : memref<2x64x256xf32, #tpu.memory_space<vmem>>, vector<1x1x16xf32>,
        %get3A_341 = vector.shape_cast %get3A_340 : vector<1x1x16xf32> to vector<16xf32>
        %add3A_342 = arith.addf %scan3A_270, %get3A_341 : vector<16xf32>
        %swap3A_343 = arith.constant 1 : i32
        %swap3A_344 = arith.index_cast %swap3A_343 : i32 to index
        %swap3A_345 = arith.index_cast %scan3A_265 : i32 to index
        %swap3A_346 = arith.constant 64 : index
        %swap3A_347 = tpu.vector_load %arg5[%swap3A_344, %swap3A_345, %swap3A_346] {strides = array<i32>} : memref<2x64x256xf32, #tpu.memory_space<vmem>>, vector<1x1x16xf32>,
        %swap3A_348 = vector.shape_cast %swap3A_347 : vector<1x1x16xf32> to vector<16xf32>
        %swap3A_349 = vector.shape_cast %add3A_342 : vector<16xf32> to vector<1x1x16xf32>
        tpu.vector_store %arg5[%swap3A_344, %swap3A_345, %swap3A_346], %swap3A_349 {strides = array<i32>} : memref<2x64x256xf32, #tpu.memory_space<vmem>>, vector<1x1x16xf32>,
        %get3A_350 = arith.constant 1 : i32
        %get3A_351 = arith.index_cast %get3A_350 : i32 to index
        %get3A_352 = arith.index_cast %scan3A_265 : i32 to index
        %get3A_353 = arith.constant 80 : index
        %get3A_354 = tpu.vector_load %arg4[%get3A_351, %get3A_352, %get3A_353] {strides = array<i32>} : memref<2x64x256xf32, #tpu.memory_space<vmem>>, vector<1x1x16xf32>,
        %get3A_355 = vector.shape_cast %get3A_354 : vector<1x1x16xf32> to vector<16xf32>
        %add3A_356 = arith.addf %scan3A_271, %get3A_355 : vector<16xf32>
        %swap3A_357 = arith.constant 1 : i32
        %swap3A_358 = arith.index_cast %swap3A_357 : i32 to index
        %swap3A_359 = arith.index_cast %scan3A_265 : i32 to index
        %swap3A_360 = arith.constant 80 : index
        %swap3A_361 = tpu.vector_load %arg5[%swap3A_358, %swap3A_359, %swap3A_360] {strides = array<i32>} : memref<2x64x256xf32, #tpu.memory_space<vmem>>, vector<1x1x16xf32>,
        %swap3A_362 = vector.shape_cast %swap3A_361 : vector<1x1x16xf32> to vector<16xf32>
        %swap3A_363 = vector.shape_cast %add3A_356 : vector<16xf32> to vector<1x1x16xf32>
        tpu.vector_store %arg5[%swap3A_358, %swap3A_359, %swap3A_360], %swap3A_363 {strides = array<i32>} : memref<2x64x256xf32, #tpu.memory_space<vmem>>, vector<1x1x16xf32>,
        %get3A_364 = arith.constant 1 : i32
        %get3A_365 = arith.index_cast %get3A_364 : i32 to index
        %get3A_366 = arith.index_cast %scan3A_265 : i32 to index
        %get3A_367 = arith.constant 96 : index
        %get3A_368 = tpu.vector_load %arg4[%get3A_365, %get3A_366, %get3A_367] {strides = array<i32>} : memref<2x64x256xf32, #tpu.memory_space<vmem>>, vector<1x1x16xf32>,
        %get3A_369 = vector.shape_cast %get3A_368 : vector<1x1x16xf32> to vector<16xf32>
        %add3A_370 = arith.addf %scan3A_272, %get3A_369 : vector<16xf32>
        %swap3A_371 = arith.constant 1 : i32
        %swap3A_372 = arith.index_cast %swap3A_371 : i32 to index
        %swap3A_373 = arith.index_cast %scan3A_265 : i32 to index
        %swap3A_374 = arith.constant 96 : index
        %swap3A_375 = tpu.vector_load %arg5[%swap3A_372, %swap3A_373, %swap3A_374] {strides = array<i32>} : memref<2x64x256xf32, #tpu.memory_space<vmem>>, vector<1x1x16xf32>,
        %swap3A_376 = vector.shape_cast %swap3A_375 : vector<1x1x16xf32> to vector<16xf32>
        %swap3A_377 = vector.shape_cast %add3A_370 : vector<16xf32> to vector<1x1x16xf32>
        tpu.vector_store %arg5[%swap3A_372, %swap3A_373, %swap3A_374], %swap3A_377 {strides = array<i32>} : memref<2x64x256xf32, #tpu.memory_space<vmem>>, vector<1x1x16xf32>,
        %get3A_378 = arith.constant 1 : i32
        %get3A_379 = arith.index_cast %get3A_378 : i32 to index
        %get3A_380 = arith.index_cast %scan3A_265 : i32 to index
        %get3A_381 = arith.constant 112 : index
        %get3A_382 = tpu.vector_load %arg4[%get3A_379, %get3A_380, %get3A_381] {strides = array<i32>} : memref<2x64x256xf32, #tpu.memory_space<vmem>>, vector<1x1x16xf32>,
        %get3A_383 = vector.shape_cast %get3A_382 : vector<1x1x16xf32> to vector<16xf32>
        %add3A_384 = arith.addf %scan3A_273, %get3A_383 : vector<16xf32>
        %swap3A_385 = arith.constant 1 : i32
        %swap3A_386 = arith.index_cast %swap3A_385 : i32 to index
        %swap3A_387 = arith.index_cast %scan3A_265 : i32 to index
        %swap3A_388 = arith.constant 112 : index
        %swap3A_389 = tpu.vector_load %arg5[%swap3A_386, %swap3A_387, %swap3A_388] {strides = array<i32>} : memref<2x64x256xf32, #tpu.memory_space<vmem>>, vector<1x1x16xf32>,
        %swap3A_390 = vector.shape_cast %swap3A_389 : vector<1x1x16xf32> to vector<16xf32>
        %swap3A_391 = vector.shape_cast %add3A_384 : vector<16xf32> to vector<1x1x16xf32>
        tpu.vector_store %arg5[%swap3A_386, %swap3A_387, %swap3A_388], %swap3A_391 {strides = array<i32>} : memref<2x64x256xf32, #tpu.memory_space<vmem>>, vector<1x1x16xf32>,
        %get3A_392 = arith.constant 1 : i32
        %get3A_393 = arith.index_cast %get3A_392 : i32 to index
        %get3A_394 = arith.index_cast %scan3A_265 : i32 to index
        %get3A_395 = arith.constant 128 : index
        %get3A_396 = tpu.vector_load %arg4[%get3A_393, %get3A_394, %get3A_395] {strides = array<i32>} : memref<2x64x256xf32, #tpu.memory_space<vmem>>, vector<1x1x16xf32>,
        %get3A_397 = vector.shape_cast %get3A_396 : vector<1x1x16xf32> to vector<16xf32>
        %add3A_398 = arith.addf %scan3A_274, %get3A_397 : vector<16xf32>
        %swap3A_399 = arith.constant 1 : i32
        %swap3A_400 = arith.index_cast %swap3A_399 : i32 to index
        %swap3A_401 = arith.index_cast %scan3A_265 : i32 to index
        %swap3A_402 = arith.constant 128 : index
        %swap3A_403 = tpu.vector_load %arg5[%swap3A_400, %swap3A_401, %swap3A_402] {strides = array<i32>} : memref<2x64x256xf32, #tpu.memory_space<vmem>>, vector<1x1x16xf32>,
        %swap3A_404 = vector.shape_cast %swap3A_403 : vector<1x1x16xf32> to vector<16xf32>
        %swap3A_405 = vector.shape_cast %add3A_398 : vector<16xf32> to vector<1x1x16xf32>
        tpu.vector_store %arg5[%swap3A_400, %swap3A_401, %swap3A_402], %swap3A_405 {strides = array<i32>} : memref<2x64x256xf32, #tpu.memory_space<vmem>>, vector<1x1x16xf32>,
        %get3A_406 = arith.constant 1 : i32
        %get3A_407 = arith.index_cast %get3A_406 : i32 to index
        %get3A_408 = arith.index_cast %scan3A_265 : i32 to index
        %get3A_409 = arith.constant 144 : index
        %get3A_410 = tpu.vector_load %arg4[%get3A_407, %get3A_408, %get3A_409] {strides = array<i32>} : memref<2x64x256xf32, #tpu.memory_space<vmem>>, vector<1x1x16xf32>,
        %get3A_411 = vector.shape_cast %get3A_410 : vector<1x1x16xf32> to vector<16xf32>
        %add3A_412 = arith.addf %scan3A_275, %get3A_411 : vector<16xf32>
        %swap3A_413 = arith.constant 1 : i32
        %swap3A_414 = arith.index_cast %swap3A_413 : i32 to index
        %swap3A_415 = arith.index_cast %scan3A_265 : i32 to index
        %swap3A_416 = arith.constant 144 : index
        %swap3A_417 = tpu.vector_load %arg5[%swap3A_414, %swap3A_415, %swap3A_416] {strides = array<i32>} : memref<2x64x256xf32, #tpu.memory_space<vmem>>, vector<1x1x16xf32>,
        %swap3A_418 = vector.shape_cast %swap3A_417 : vector<1x1x16xf32> to vector<16xf32>
        %swap3A_419 = vector.shape_cast %add3A_412 : vector<16xf32> to vector<1x1x16xf32>
        tpu.vector_store %arg5[%swap3A_414, %swap3A_415, %swap3A_416], %swap3A_419 {strides = array<i32>} : memref<2x64x256xf32, #tpu.memory_space<vmem>>, vector<1x1x16xf32>,
        %get3A_420 = arith.constant 1 : i32
        %get3A_421 = arith.index_cast %get3A_420 : i32 to index
        %get3A_422 = arith.index_cast %scan3A_265 : i32 to index
        %get3A_423 = arith.constant 160 : index
        %get3A_424 = tpu.vector_load %arg4[%get3A_421, %get3A_422, %get3A_423] {strides = array<i32>} : memref<2x64x256xf32, #tpu.memory_space<vmem>>, vector<1x1x16xf32>,
        %get3A_425 = vector.shape_cast %get3A_424 : vector<1x1x16xf32> to vector<16xf32>
        %add3A_426 = arith.addf %scan3A_276, %get3A_425 : vector<16xf32>
        %swap3A_427 = arith.constant 1 : i32
        %swap3A_428 = arith.index_cast %swap3A_427 : i32 to index
        %swap3A_429 = arith.index_cast %scan3A_265 : i32 to index
        %swap3A_430 = arith.constant 160 : index
        %swap3A_431 = tpu.vector_load %arg5[%swap3A_428, %swap3A_429, %swap3A_430] {strides = array<i32>} : memref<2x64x256xf32, #tpu.memory_space<vmem>>, vector<1x1x16xf32>,
        %swap3A_432 = vector.shape_cast %swap3A_431 : vector<1x1x16xf32> to vector<16xf32>
        %swap3A_433 = vector.shape_cast %add3A_426 : vector<16xf32> to vector<1x1x16xf32>
        tpu.vector_store %arg5[%swap3A_428, %swap3A_429, %swap3A_430], %swap3A_433 {strides = array<i32>} : memref<2x64x256xf32, #tpu.memory_space<vmem>>, vector<1x1x16xf32>,
        %get3A_434 = arith.constant 1 : i32
        %get3A_435 = arith.index_cast %get3A_434 : i32 to index
        %get3A_436 = arith.index_cast %scan3A_265 : i32 to index
        %get3A_437 = arith.constant 176 : index
        %get3A_438 = tpu.vector_load %arg4[%get3A_435, %get3A_436, %get3A_437] {strides = array<i32>} : memref<2x64x256xf32, #tpu.memory_space<vmem>>, vector<1x1x16xf32>,
        %get3A_439 = vector.shape_cast %get3A_438 : vector<1x1x16xf32> to vector<16xf32>
        %add3A_440 = arith.addf %scan3A_277, %get3A_439 : vector<16xf32>
        %swap3A_441 = arith.constant 1 : i32
        %swap3A_442 = arith.index_cast %swap3A_441 : i32 to index
        %swap3A_443 = arith.index_cast %scan3A_265 : i32 to index
        %swap3A_444 = arith.constant 176 : index
        %swap3A_445 = tpu.vector_load %arg5[%swap3A_442, %swap3A_443, %swap3A_444] {strides = array<i32>} : memref<2x64x256xf32, #tpu.memory_space<vmem>>, vector<1x1x16xf32>,
        %swap3A_446 = vector.shape_cast %swap3A_445 : vector<1x1x16xf32> to vector<16xf32>
        %swap3A_447 = vector.shape_cast %add3A_440 : vector<16xf32> to vector<1x1x16xf32>
        tpu.vector_store %arg5[%swap3A_442, %swap3A_443, %swap3A_444], %swap3A_447 {strides = array<i32>} : memref<2x64x256xf32, #tpu.memory_space<vmem>>, vector<1x1x16xf32>,
        %get3A_448 = arith.constant 1 : i32
        %get3A_449 = arith.index_cast %get3A_448 : i32 to index
        %get3A_450 = arith.index_cast %scan3A_265 : i32 to index
        %get3A_451 = arith.constant 192 : index
        %get3A_452 = tpu.vector_load %arg4[%get3A_449, %get3A_450, %get3A_451] {strides = array<i32>} : memref<2x64x256xf32, #tpu.memory_space<vmem>>, vector<1x1x16xf32>,
        %get3A_453 = vector.shape_cast %get3A_452 : vector<1x1x16xf32> to vector<16xf32>
        %add3A_454 = arith.addf %scan3A_278, %get3A_453 : vector<16xf32>
        %swap3A_455 = arith.constant 1 : i32
        %swap3A_456 = arith.index_cast %swap3A_455 : i32 to index
        %swap3A_457 = arith.index_cast %scan3A_265 : i32 to index
        %swap3A_458 = arith.constant 192 : index
        %swap3A_459 = tpu.vector_load %arg5[%swap3A_456, %swap3A_457, %swap3A_458] {strides = array<i32>} : memref<2x64x256xf32, #tpu.memory_space<vmem>>, vector<1x1x16xf32>,
        %swap3A_460 = vector.shape_cast %swap3A_459 : vector<1x1x16xf32> to vector<16xf32>
        %swap3A_461 = vector.shape_cast %add3A_454 : vector<16xf32> to vector<1x1x16xf32>
        tpu.vector_store %arg5[%swap3A_456, %swap3A_457, %swap3A_458], %swap3A_461 {strides = array<i32>} : memref<2x64x256xf32, #tpu.memory_space<vmem>>, vector<1x1x16xf32>,
        %get3A_462 = arith.constant 1 : i32
        %get3A_463 = arith.index_cast %get3A_462 : i32 to index
        %get3A_464 = arith.index_cast %scan3A_265 : i32 to index
        %get3A_465 = arith.constant 208 : index
        %get3A_466 = tpu.vector_load %arg4[%get3A_463, %get3A_464, %get3A_465] {strides = array<i32>} : memref<2x64x256xf32, #tpu.memory_space<vmem>>, vector<1x1x16xf32>,
        %get3A_467 = vector.shape_cast %get3A_466 : vector<1x1x16xf32> to vector<16xf32>
        %add3A_468 = arith.addf %scan3A_279, %get3A_467 : vector<16xf32>
        %swap3A_469 = arith.constant 1 : i32
        %swap3A_470 = arith.index_cast %swap3A_469 : i32 to index
        %swap3A_471 = arith.index_cast %scan3A_265 : i32 to index
        %swap3A_472 = arith.constant 208 : index
        %swap3A_473 = tpu.vector_load %arg5[%swap3A_470, %swap3A_471, %swap3A_472] {strides = array<i32>} : memref<2x64x256xf32, #tpu.memory_space<vmem>>, vector<1x1x16xf32>,
        %swap3A_474 = vector.shape_cast %swap3A_473 : vector<1x1x16xf32> to vector<16xf32>
        %swap3A_475 = vector.shape_cast %add3A_468 : vector<16xf32> to vector<1x1x16xf32>
        tpu.vector_store %arg5[%swap3A_470, %swap3A_471, %swap3A_472], %swap3A_475 {strides = array<i32>} : memref<2x64x256xf32, #tpu.memory_space<vmem>>, vector<1x1x16xf32>,
        %get3A_476 = arith.constant 1 : i32
        %get3A_477 = arith.index_cast %get3A_476 : i32 to index
        %get3A_478 = arith.index_cast %scan3A_265 : i32 to index
        %get3A_479 = arith.constant 224 : index
        %get3A_480 = tpu.vector_load %arg4[%get3A_477, %get3A_478, %get3A_479] {strides = array<i32>} : memref<2x64x256xf32, #tpu.memory_space<vmem>>, vector<1x1x16xf32>,
        %get3A_481 = vector.shape_cast %get3A_480 : vector<1x1x16xf32> to vector<16xf32>
        %add3A_482 = arith.addf %scan3A_280, %get3A_481 : vector<16xf32>
        %swap3A_483 = arith.constant 1 : i32
        %swap3A_484 = arith.index_cast %swap3A_483 : i32 to index
        %swap3A_485 = arith.index_cast %scan3A_265 : i32 to index
        %swap3A_486 = arith.constant 224 : index
        %swap3A_487 = tpu.vector_load %arg5[%swap3A_484, %swap3A_485, %swap3A_486] {strides = array<i32>} : memref<2x64x256xf32, #tpu.memory_space<vmem>>, vector<1x1x16xf32>,
        %swap3A_488 = vector.shape_cast %swap3A_487 : vector<1x1x16xf32> to vector<16xf32>
        %swap3A_489 = vector.shape_cast %add3A_482 : vector<16xf32> to vector<1x1x16xf32>
        tpu.vector_store %arg5[%swap3A_484, %swap3A_485, %swap3A_486], %swap3A_489 {strides = array<i32>} : memref<2x64x256xf32, #tpu.memory_space<vmem>>, vector<1x1x16xf32>,
        %get3A_490 = arith.constant 1 : i32
        %get3A_491 = arith.index_cast %get3A_490 : i32 to index
        %get3A_492 = arith.index_cast %scan3A_265 : i32 to index
        %get3A_493 = arith.constant 240 : index
        %get3A_494 = tpu.vector_load %arg4[%get3A_491, %get3A_492, %get3A_493] {strides = array<i32>} : memref<2x64x256xf32, #tpu.memory_space<vmem>>, vector<1x1x16xf32>,
        %get3A_495 = vector.shape_cast %get3A_494 : vector<1x1x16xf32> to vector<16xf32>
        %add3A_496 = arith.addf %scan3A_281, %get3A_495 : vector<16xf32>
        %swap3A_497 = arith.constant 1 : i32
        %swap3A_498 = arith.index_cast %swap3A_497 : i32 to index
        %swap3A_499 = arith.index_cast %scan3A_265 : i32 to index
        %swap3A_500 = arith.constant 240 : index
        %swap3A_501 = tpu.vector_load %arg5[%swap3A_498, %swap3A_499, %swap3A_500] {strides = array<i32>} : memref<2x64x256xf32, #tpu.memory_space<vmem>>, vector<1x1x16xf32>,
        %swap3A_502 = vector.shape_cast %swap3A_501 : vector<1x1x16xf32> to vector<16xf32>
        %swap3A_503 = vector.shape_cast %add3A_496 : vector<16xf32> to vector<1x1x16xf32>
        tpu.vector_store %arg5[%swap3A_498, %swap3A_499, %swap3A_500], %swap3A_503 {strides = array<i32>} : memref<2x64x256xf32, #tpu.memory_space<vmem>>, vector<1x1x16xf32>,
        %scan3A_504 = arith.constant 1 : i32
        %scan3A_505 = arith.addi %scan3A_265, %scan3A_504 : i32
        %get3A_506 = arith.constant 1 : i32
        %get3A_507 = arith.index_cast %get3A_506 : i32 to index
        %get3A_508 = arith.index_cast %scan3A_505 : i32 to index
        %get3A_509 = arith.constant 0 : index
        %get3A_510 = tpu.vector_load %arg4[%get3A_507, %get3A_508, %get3A_509] {strides = array<i32>} : memref<2x64x256xf32, #tpu.memory_space<vmem>>, vector<1x1x16xf32>,
        %get3A_511 = vector.shape_cast %get3A_510 : vector<1x1x16xf32> to vector<16xf32>
        %add3A_512 = arith.addf %add3A_287, %get3A_511 : vector<16xf32>
        %swap3A_513 = arith.constant 1 : i32
        %swap3A_514 = arith.index_cast %swap3A_513 : i32 to index
        %swap3A_515 = arith.index_cast %scan3A_505 : i32 to index
        %swap3A_516 = arith.constant 0 : index
        %swap3A_517 = tpu.vector_load %arg5[%swap3A_514, %swap3A_515, %swap3A_516] {strides = array<i32>} : memref<2x64x256xf32, #tpu.memory_space<vmem>>, vector<1x1x16xf32>,
        %swap3A_518 = vector.shape_cast %swap3A_517 : vector<1x1x16xf32> to vector<16xf32>
        %swap3A_519 = vector.shape_cast %add3A_512 : vector<16xf32> to vector<1x1x16xf32>
        tpu.vector_store %arg5[%swap3A_514, %swap3A_515, %swap3A_516], %swap3A_519 {strides = array<i32>} : memref<2x64x256xf32, #tpu.memory_space<vmem>>, vector<1x1x16xf32>,
        %get3A_520 = arith.constant 1 : i32
        %get3A_521 = arith.index_cast %get3A_520 : i32 to index
        %get3A_522 = arith.index_cast %scan3A_505 : i32 to index
        %get3A_523 = arith.constant 16 : index
        %get3A_524 = tpu.vector_load %arg4[%get3A_521, %get3A_522, %get3A_523] {strides = array<i32>} : memref<2x64x256xf32, #tpu.memory_space<vmem>>, vector<1x1x16xf32>,
        %get3A_525 = vector.shape_cast %get3A_524 : vector<1x1x16xf32> to vector<16xf32>
        %add3A_526 = arith.addf %add3A_300, %get3A_525 : vector<16xf32>
        %swap3A_527 = arith.constant 1 : i32
        %swap3A_528 = arith.index_cast %swap3A_527 : i32 to index
        %swap3A_529 = arith.index_cast %scan3A_505 : i32 to index
        %swap3A_530 = arith.constant 16 : index
        %swap3A_531 = tpu.vector_load %arg5[%swap3A_528, %swap3A_529, %swap3A_530] {strides = array<i32>} : memref<2x64x256xf32, #tpu.memory_space<vmem>>, vector<1x1x16xf32>,
        %swap3A_532 = vector.shape_cast %swap3A_531 : vector<1x1x16xf32> to vector<16xf32>
        %swap3A_533 = vector.shape_cast %add3A_526 : vector<16xf32> to vector<1x1x16xf32>
        tpu.vector_store %arg5[%swap3A_528, %swap3A_529, %swap3A_530], %swap3A_533 {strides = array<i32>} : memref<2x64x256xf32, #tpu.memory_space<vmem>>, vector<1x1x16xf32>,
        %get3A_534 = arith.constant 1 : i32
        %get3A_535 = arith.index_cast %get3A_534 : i32 to index
        %get3A_536 = arith.index_cast %scan3A_505 : i32 to index
        %get3A_537 = arith.constant 32 : index
        %get3A_538 = tpu.vector_load %arg4[%get3A_535, %get3A_536, %get3A_537] {strides = array<i32>} : memref<2x64x256xf32, #tpu.memory_space<vmem>>, vector<1x1x16xf32>,
        %get3A_539 = vector.shape_cast %get3A_538 : vector<1x1x16xf32> to vector<16xf32>
        %add3A_540 = arith.addf %add3A_314, %get3A_539 : vector<16xf32>
        %swap3A_541 = arith.constant 1 : i32
        %swap3A_542 = arith.index_cast %swap3A_541 : i32 to index
        %swap3A_543 = arith.index_cast %scan3A_505 : i32 to index
        %swap3A_544 = arith.constant 32 : index
        %swap3A_545 = tpu.vector_load %arg5[%swap3A_542, %swap3A_543, %swap3A_544] {strides = array<i32>} : memref<2x64x256xf32, #tpu.memory_space<vmem>>, vector<1x1x16xf32>,
        %swap3A_546 = vector.shape_cast %swap3A_545 : vector<1x1x16xf32> to vector<16xf32>
        %swap3A_547 = vector.shape_cast %add3A_540 : vector<16xf32> to vector<1x1x16xf32>
        tpu.vector_store %arg5[%swap3A_542, %swap3A_543, %swap3A_544], %swap3A_547 {strides = array<i32>} : memref<2x64x256xf32, #tpu.memory_space<vmem>>, vector<1x1x16xf32>,
        %get3A_548 = arith.constant 1 : i32
        %get3A_549 = arith.index_cast %get3A_548 : i32 to index
        %get3A_550 = arith.index_cast %scan3A_505 : i32 to index
        %get3A_551 = arith.constant 48 : index
        %get3A_552 = tpu.vector_load %arg4[%get3A_549, %get3A_550, %get3A_551] {strides = array<i32>} : memref<2x64x256xf32, #tpu.memory_space<vmem>>, vector<1x1x16xf32>,
        %get3A_553 = vector.shape_cast %get3A_552 : vector<1x1x16xf32> to vector<16xf32>
        %add3A_554 = arith.addf %add3A_328, %get3A_553 : vector<16xf32>
        %swap3A_555 = arith.constant 1 : i32
        %swap3A_556 = arith.index_cast %swap3A_555 : i32 to index
        %swap3A_557 = arith.index_cast %scan3A_505 : i32 to index
        %swap3A_558 = arith.constant 48 : index
        %swap3A_559 = tpu.vector_load %arg5[%swap3A_556, %swap3A_557, %swap3A_558] {strides = array<i32>} : memref<2x64x256xf32, #tpu.memory_space<vmem>>, vector<1x1x16xf32>,
        %swap3A_560 = vector.shape_cast %swap3A_559 : vector<1x1x16xf32> to vector<16xf32>
        %swap3A_561 = vector.shape_cast %add3A_554 : vector<16xf32> to vector<1x1x16xf32>
        tpu.vector_store %arg5[%swap3A_556, %swap3A_557, %swap3A_558], %swap3A_561 {strides = array<i32>} : memref<2x64x256xf32, #tpu.memory_space<vmem>>, vector<1x1x16xf32>,
        %get3A_562 = arith.constant 1 : i32
        %get3A_563 = arith.index_cast %get3A_562 : i32 to index
        %get3A_564 = arith.index_cast %scan3A_505 : i32 to index
        %get3A_565 = arith.constant 64 : index
        %get3A_566 = tpu.vector_load %arg4[%get3A_563, %get3A_564, %get3A_565] {strides = array<i32>} : memref<2x64x256xf32, #tpu.memory_space<vmem>>, vector<1x1x16xf32>,
        %get3A_567 = vector.shape_cast %get3A_566 : vector<1x1x16xf32> to vector<16xf32>
        %add3A_568 = arith.addf %add3A_342, %get3A_567 : vector<16xf32>
        %swap3A_569 = arith.constant 1 : i32
        %swap3A_570 = arith.index_cast %swap3A_569 : i32 to index
        %swap3A_571 = arith.index_cast %scan3A_505 : i32 to index
        %swap3A_572 = arith.constant 64 : index
        %swap3A_573 = tpu.vector_load %arg5[%swap3A_570, %swap3A_571, %swap3A_572] {strides = array<i32>} : memref<2x64x256xf32, #tpu.memory_space<vmem>>, vector<1x1x16xf32>,
        %swap3A_574 = vector.shape_cast %swap3A_573 : vector<1x1x16xf32> to vector<16xf32>
        %swap3A_575 = vector.shape_cast %add3A_568 : vector<16xf32> to vector<1x1x16xf32>
        tpu.vector_store %arg5[%swap3A_570, %swap3A_571, %swap3A_572], %swap3A_575 {strides = array<i32>} : memref<2x64x256xf32, #tpu.memory_space<vmem>>, vector<1x1x16xf32>,
        %get3A_576 = arith.constant 1 : i32
        %get3A_577 = arith.index_cast %get3A_576 : i32 to index
        %get3A_578 = arith.index_cast %scan3A_505 : i32 to index
        %get3A_579 = arith.constant 80 : index
        %get3A_580 = tpu.vector_load %arg4[%get3A_577, %get3A_578, %get3A_579] {strides = array<i32>} : memref<2x64x256xf32, #tpu.memory_space<vmem>>, vector<1x1x16xf32>,
        %get3A_581 = vector.shape_cast %get3A_580 : vector<1x1x16xf32> to vector<16xf32>
        %add3A_582 = arith.addf %add3A_356, %get3A_581 : vector<16xf32>
        %swap3A_583 = arith.constant 1 : i32
        %swap3A_584 = arith.index_cast %swap3A_583 : i32 to index
        %swap3A_585 = arith.index_cast %scan3A_505 : i32 to index
        %swap3A_586 = arith.constant 80 : index
        %swap3A_587 = tpu.vector_load %arg5[%swap3A_584, %swap3A_585, %swap3A_586] {strides = array<i32>} : memref<2x64x256xf32, #tpu.memory_space<vmem>>, vector<1x1x16xf32>,
        %swap3A_588 = vector.shape_cast %swap3A_587 : vector<1x1x16xf32> to vector<16xf32>
        %swap3A_589 = vector.shape_cast %add3A_582 : vector<16xf32> to vector<1x1x16xf32>
        tpu.vector_store %arg5[%swap3A_584, %swap3A_585, %swap3A_586], %swap3A_589 {strides = array<i32>} : memref<2x64x256xf32, #tpu.memory_space<vmem>>, vector<1x1x16xf32>,
        %get3A_590 = arith.constant 1 : i32
        %get3A_591 = arith.index_cast %get3A_590 : i32 to index
        %get3A_592 = arith.index_cast %scan3A_505 : i32 to index
        %get3A_593 = arith.constant 96 : index
        %get3A_594 = tpu.vector_load %arg4[%get3A_591, %get3A_592, %get3A_593] {strides = array<i32>} : memref<2x64x256xf32, #tpu.memory_space<vmem>>, vector<1x1x16xf32>,
        %get3A_595 = vector.shape_cast %get3A_594 : vector<1x1x16xf32> to vector<16xf32>
        %add3A_596 = arith.addf %add3A_370, %get3A_595 : vector<16xf32>
        %swap3A_597 = arith.constant 1 : i32
        %swap3A_598 = arith.index_cast %swap3A_597 : i32 to index
        %swap3A_599 = arith.index_cast %scan3A_505 : i32 to index
        %swap3A_600 = arith.constant 96 : index
        %swap3A_601 = tpu.vector_load %arg5[%swap3A_598, %swap3A_599, %swap3A_600] {strides = array<i32>} : memref<2x64x256xf32, #tpu.memory_space<vmem>>, vector<1x1x16xf32>,
        %swap3A_602 = vector.shape_cast %swap3A_601 : vector<1x1x16xf32> to vector<16xf32>
        %swap3A_603 = vector.shape_cast %add3A_596 : vector<16xf32> to vector<1x1x16xf32>
        tpu.vector_store %arg5[%swap3A_598, %swap3A_599, %swap3A_600], %swap3A_603 {strides = array<i32>} : memref<2x64x256xf32, #tpu.memory_space<vmem>>, vector<1x1x16xf32>,
        %get3A_604 = arith.constant 1 : i32
        %get3A_605 = arith.index_cast %get3A_604 : i32 to index
        %get3A_606 = arith.index_cast %scan3A_505 : i32 to index
        %get3A_607 = arith.constant 112 : index
        %get3A_608 = tpu.vector_load %arg4[%get3A_605, %get3A_606, %get3A_607] {strides = array<i32>} : memref<2x64x256xf32, #tpu.memory_space<vmem>>, vector<1x1x16xf32>,
        %get3A_609 = vector.shape_cast %get3A_608 : vector<1x1x16xf32> to vector<16xf32>
        %add3A_610 = arith.addf %add3A_384, %get3A_609 : vector<16xf32>
        %swap3A_611 = arith.constant 1 : i32
        %swap3A_612 = arith.index_cast %swap3A_611 : i32 to index
        %swap3A_613 = arith.index_cast %scan3A_505 : i32 to index
        %swap3A_614 = arith.constant 112 : index
        %swap3A_615 = tpu.vector_load %arg5[%swap3A_612, %swap3A_613, %swap3A_614] {strides = array<i32>} : memref<2x64x256xf32, #tpu.memory_space<vmem>>, vector<1x1x16xf32>,
        %swap3A_616 = vector.shape_cast %swap3A_615 : vector<1x1x16xf32> to vector<16xf32>
        %swap3A_617 = vector.shape_cast %add3A_610 : vector<16xf32> to vector<1x1x16xf32>
        tpu.vector_store %arg5[%swap3A_612, %swap3A_613, %swap3A_614], %swap3A_617 {strides = array<i32>} : memref<2x64x256xf32, #tpu.memory_space<vmem>>, vector<1x1x16xf32>,
        %get3A_618 = arith.constant 1 : i32
        %get3A_619 = arith.index_cast %get3A_618 : i32 to index
        %get3A_620 = arith.index_cast %scan3A_505 : i32 to index
        %get3A_621 = arith.constant 128 : index
        %get3A_622 = tpu.vector_load %arg4[%get3A_619, %get3A_620, %get3A_621] {strides = array<i32>} : memref<2x64x256xf32, #tpu.memory_space<vmem>>, vector<1x1x16xf32>,
        %get3A_623 = vector.shape_cast %get3A_622 : vector<1x1x16xf32> to vector<16xf32>
        %add3A_624 = arith.addf %add3A_398, %get3A_623 : vector<16xf32>
        %swap3A_625 = arith.constant 1 : i32
        %swap3A_626 = arith.index_cast %swap3A_625 : i32 to index
        %swap3A_627 = arith.index_cast %scan3A_505 : i32 to index
        %swap3A_628 = arith.constant 128 : index
        %swap3A_629 = tpu.vector_load %arg5[%swap3A_626, %swap3A_627, %swap3A_628] {strides = array<i32>} : memref<2x64x256xf32, #tpu.memory_space<vmem>>, vector<1x1x16xf32>,
        %swap3A_630 = vector.shape_cast %swap3A_629 : vector<1x1x16xf32> to vector<16xf32>
        %swap3A_631 = vector.shape_cast %add3A_624 : vector<16xf32> to vector<1x1x16xf32>
        tpu.vector_store %arg5[%swap3A_626, %swap3A_627, %swap3A_628], %swap3A_631 {strides = array<i32>} : memref<2x64x256xf32, #tpu.memory_space<vmem>>, vector<1x1x16xf32>,
        %get3A_632 = arith.constant 1 : i32
        %get3A_633 = arith.index_cast %get3A_632 : i32 to index
        %get3A_634 = arith.index_cast %scan3A_505 : i32 to index
        %get3A_635 = arith.constant 144 : index
        %get3A_636 = tpu.vector_load %arg4[%get3A_633, %get3A_634, %get3A_635] {strides = array<i32>} : memref<2x64x256xf32, #tpu.memory_space<vmem>>, vector<1x1x16xf32>,
        %get3A_637 = vector.shape_cast %get3A_636 : vector<1x1x16xf32> to vector<16xf32>
        %add3A_638 = arith.addf %add3A_412, %get3A_637 : vector<16xf32>
        %swap3A_639 = arith.constant 1 : i32
        %swap3A_640 = arith.index_cast %swap3A_639 : i32 to index
        %swap3A_641 = arith.index_cast %scan3A_505 : i32 to index
        %swap3A_642 = arith.constant 144 : index
        %swap3A_643 = tpu.vector_load %arg5[%swap3A_640, %swap3A_641, %swap3A_642] {strides = array<i32>} : memref<2x64x256xf32, #tpu.memory_space<vmem>>, vector<1x1x16xf32>,
        %swap3A_644 = vector.shape_cast %swap3A_643 : vector<1x1x16xf32> to vector<16xf32>
        %swap3A_645 = vector.shape_cast %add3A_638 : vector<16xf32> to vector<1x1x16xf32>
        tpu.vector_store %arg5[%swap3A_640, %swap3A_641, %swap3A_642], %swap3A_645 {strides = array<i32>} : memref<2x64x256xf32, #tpu.memory_space<vmem>>, vector<1x1x16xf32>,
        %get3A_646 = arith.constant 1 : i32
        %get3A_647 = arith.index_cast %get3A_646 : i32 to index
        %get3A_648 = arith.index_cast %scan3A_505 : i32 to index
        %get3A_649 = arith.constant 160 : index
        %get3A_650 = tpu.vector_load %arg4[%get3A_647, %get3A_648, %get3A_649] {strides = array<i32>} : memref<2x64x256xf32, #tpu.memory_space<vmem>>, vector<1x1x16xf32>,
        %get3A_651 = vector.shape_cast %get3A_650 : vector<1x1x16xf32> to vector<16xf32>
        %add3A_652 = arith.addf %add3A_426, %get3A_651 : vector<16xf32>
        %swap3A_653 = arith.constant 1 : i32
        %swap3A_654 = arith.index_cast %swap3A_653 : i32 to index
        %swap3A_655 = arith.index_cast %scan3A_505 : i32 to index
        %swap3A_656 = arith.constant 160 : index
        %swap3A_657 = tpu.vector_load %arg5[%swap3A_654, %swap3A_655, %swap3A_656] {strides = array<i32>} : memref<2x64x256xf32, #tpu.memory_space<vmem>>, vector<1x1x16xf32>,
        %swap3A_658 = vector.shape_cast %swap3A_657 : vector<1x1x16xf32> to vector<16xf32>
        %swap3A_659 = vector.shape_cast %add3A_652 : vector<16xf32> to vector<1x1x16xf32>
        tpu.vector_store %arg5[%swap3A_654, %swap3A_655, %swap3A_656], %swap3A_659 {strides = array<i32>} : memref<2x64x256xf32, #tpu.memory_space<vmem>>, vector<1x1x16xf32>,
        %get3A_660 = arith.constant 1 : i32
        %get3A_661 = arith.index_cast %get3A_660 : i32 to index
        %get3A_662 = arith.index_cast %scan3A_505 : i32 to index
        %get3A_663 = arith.constant 176 : index
        %get3A_664 = tpu.vector_load %arg4[%get3A_661, %get3A_662, %get3A_663] {strides = array<i32>} : memref<2x64x256xf32, #tpu.memory_space<vmem>>, vector<1x1x16xf32>,
        %get3A_665 = vector.shape_cast %get3A_664 : vector<1x1x16xf32> to vector<16xf32>
        %add3A_666 = arith.addf %add3A_440, %get3A_665 : vector<16xf32>
        %swap3A_667 = arith.constant 1 : i32
        %swap3A_668 = arith.index_cast %swap3A_667 : i32 to index
        %swap3A_669 = arith.index_cast %scan3A_505 : i32 to index
        %swap3A_670 = arith.constant 176 : index
        %swap3A_671 = tpu.vector_load %arg5[%swap3A_668, %swap3A_669, %swap3A_670] {strides = array<i32>} : memref<2x64x256xf32, #tpu.memory_space<vmem>>, vector<1x1x16xf32>,
        %swap3A_672 = vector.shape_cast %swap3A_671 : vector<1x1x16xf32> to vector<16xf32>
        %swap3A_673 = vector.shape_cast %add3A_666 : vector<16xf32> to vector<1x1x16xf32>
        tpu.vector_store %arg5[%swap3A_668, %swap3A_669, %swap3A_670], %swap3A_673 {strides = array<i32>} : memref<2x64x256xf32, #tpu.memory_space<vmem>>, vector<1x1x16xf32>,
        %get3A_674 = arith.constant 1 : i32
        %get3A_675 = arith.index_cast %get3A_674 : i32 to index
        %get3A_676 = arith.index_cast %scan3A_505 : i32 to index
        %get3A_677 = arith.constant 192 : index
        %get3A_678 = tpu.vector_load %arg4[%get3A_675, %get3A_676, %get3A_677] {strides = array<i32>} : memref<2x64x256xf32, #tpu.memory_space<vmem>>, vector<1x1x16xf32>,
        %get3A_679 = vector.shape_cast %get3A_678 : vector<1x1x16xf32> to vector<16xf32>
        %add3A_680 = arith.addf %add3A_454, %get3A_679 : vector<16xf32>
        %swap3A_681 = arith.constant 1 : i32
        %swap3A_682 = arith.index_cast %swap3A_681 : i32 to index
        %swap3A_683 = arith.index_cast %scan3A_505 : i32 to index
        %swap3A_684 = arith.constant 192 : index
        %swap3A_685 = tpu.vector_load %arg5[%swap3A_682, %swap3A_683, %swap3A_684] {strides = array<i32>} : memref<2x64x256xf32, #tpu.memory_space<vmem>>, vector<1x1x16xf32>,
        %swap3A_686 = vector.shape_cast %swap3A_685 : vector<1x1x16xf32> to vector<16xf32>
        %swap3A_687 = vector.shape_cast %add3A_680 : vector<16xf32> to vector<1x1x16xf32>
        tpu.vector_store %arg5[%swap3A_682, %swap3A_683, %swap3A_684], %swap3A_687 {strides = array<i32>} : memref<2x64x256xf32, #tpu.memory_space<vmem>>, vector<1x1x16xf32>,
        %get3A_688 = arith.constant 1 : i32
        %get3A_689 = arith.index_cast %get3A_688 : i32 to index
        %get3A_690 = arith.index_cast %scan3A_505 : i32 to index
        %get3A_691 = arith.constant 208 : index
        %get3A_692 = tpu.vector_load %arg4[%get3A_689, %get3A_690, %get3A_691] {strides = array<i32>} : memref<2x64x256xf32, #tpu.memory_space<vmem>>, vector<1x1x16xf32>,
        %get3A_693 = vector.shape_cast %get3A_692 : vector<1x1x16xf32> to vector<16xf32>
        %add3A_694 = arith.addf %add3A_468, %get3A_693 : vector<16xf32>
        %swap3A_695 = arith.constant 1 : i32
        %swap3A_696 = arith.index_cast %swap3A_695 : i32 to index
        %swap3A_697 = arith.index_cast %scan3A_505 : i32 to index
        %swap3A_698 = arith.constant 208 : index
        %swap3A_699 = tpu.vector_load %arg5[%swap3A_696, %swap3A_697, %swap3A_698] {strides = array<i32>} : memref<2x64x256xf32, #tpu.memory_space<vmem>>, vector<1x1x16xf32>,
        %swap3A_700 = vector.shape_cast %swap3A_699 : vector<1x1x16xf32> to vector<16xf32>
        %swap3A_701 = vector.shape_cast %add3A_694 : vector<16xf32> to vector<1x1x16xf32>
        tpu.vector_store %arg5[%swap3A_696, %swap3A_697, %swap3A_698], %swap3A_701 {strides = array<i32>} : memref<2x64x256xf32, #tpu.memory_space<vmem>>, vector<1x1x16xf32>,
        %get3A_702 = arith.constant 1 : i32
        %get3A_703 = arith.index_cast %get3A_702 : i32 to index
        %get3A_704 = arith.index_cast %scan3A_505 : i32 to index
        %get3A_705 = arith.constant 224 : index
        %get3A_706 = tpu.vector_load %arg4[%get3A_703, %get3A_704, %get3A_705] {strides = array<i32>} : memref<2x64x256xf32, #tpu.memory_space<vmem>>, vector<1x1x16xf32>,
        %get3A_707 = vector.shape_cast %get3A_706 : vector<1x1x16xf32> to vector<16xf32>
        %add3A_708 = arith.addf %add3A_482, %get3A_707 : vector<16xf32>
        %swap3A_709 = arith.constant 1 : i32
        %swap3A_710 = arith.index_cast %swap3A_709 : i32 to index
        %swap3A_711 = arith.index_cast %scan3A_505 : i32 to index
        %swap3A_712 = arith.constant 224 : index
        %swap3A_713 = tpu.vector_load %arg5[%swap3A_710, %swap3A_711, %swap3A_712] {strides = array<i32>} : memref<2x64x256xf32, #tpu.memory_space<vmem>>, vector<1x1x16xf32>,
        %swap3A_714 = vector.shape_cast %swap3A_713 : vector<1x1x16xf32> to vector<16xf32>
        %swap3A_715 = vector.shape_cast %add3A_708 : vector<16xf32> to vector<1x1x16xf32>
        tpu.vector_store %arg5[%swap3A_710, %swap3A_711, %swap3A_712], %swap3A_715 {strides = array<i32>} : memref<2x64x256xf32, #tpu.memory_space<vmem>>, vector<1x1x16xf32>,
        %get3A_716 = arith.constant 1 : i32
        %get3A_717 = arith.index_cast %get3A_716 : i32 to index
        %get3A_718 = arith.index_cast %scan3A_505 : i32 to index
        %get3A_719 = arith.constant 240 : index
        %get3A_720 = tpu.vector_load %arg4[%get3A_717, %get3A_718, %get3A_719] {strides = array<i32>} : memref<2x64x256xf32, #tpu.memory_space<vmem>>, vector<1x1x16xf32>,
        %get3A_721 = vector.shape_cast %get3A_720 : vector<1x1x16xf32> to vector<16xf32>
        %add3A_722 = arith.addf %add3A_496, %get3A_721 : vector<16xf32>
        %swap3A_723 = arith.constant 1 : i32
        %swap3A_724 = arith.index_cast %swap3A_723 : i32 to index
        %swap3A_725 = arith.index_cast %scan3A_505 : i32 to index
        %swap3A_726 = arith.constant 240 : index
        %swap3A_727 = tpu.vector_load %arg5[%swap3A_724, %swap3A_725, %swap3A_726] {strides = array<i32>} : memref<2x64x256xf32, #tpu.memory_space<vmem>>, vector<1x1x16xf32>,
        %swap3A_728 = vector.shape_cast %swap3A_727 : vector<1x1x16xf32> to vector<16xf32>
        %swap3A_729 = vector.shape_cast %add3A_722 : vector<16xf32> to vector<1x1x16xf32>
        tpu.vector_store %arg5[%swap3A_724, %swap3A_725, %swap3A_726], %swap3A_729 {strides = array<i32>} : memref<2x64x256xf32, #tpu.memory_space<vmem>>, vector<1x1x16xf32>,
        scf.yield %add3A_512, %add3A_526, %add3A_540, %add3A_554, %add3A_568, %add3A_582, %add3A_596, %add3A_610, %add3A_624, %add3A_638, %add3A_652, %add3A_666, %add3A_680, %add3A_694, %add3A_708, %add3A_722 : vector<16xf32>, vector<16xf32>, vector<16xf32>, vector<16xf32>, vector<16xf32>, vector<16xf32>, vector<16xf32>, vector<16xf32>, vector<16xf32>, vector<16xf32>, vector<16xf32>, vector<16xf32>, vector<16xf32>, vector<16xf32>, vector<16xf32>, vector<16xf32>
      }
      %scan3A_241 = arith.constant 64 : i32
      %mul3A_242 = arith.constant 64 : i32
      %mul3A_243 = arith.muli %add3A_212, %mul3A_242 : i32
      %dma_start3A_244 = arith.constant 1 : i32
      %dma_start3A_245 = arith.constant 1 : i32
      %dma_start3A_246 = arith.constant 0 : i32
      %dma_start3A_247 = arith.constant 0 : i32
      %dma_start3A_248 = tpu.memref_slice %arg5[%dma_start3A_244, %dma_start3A_246, %dma_start3A_247] : memref<2x64x256xf32, #tpu.memory_space<vmem>> -> memref<1x64x256xf32, #tpu.memory_space<vmem>>
      %dma_start3A_249 = tpu.memref_squeeze %dma_start3A_248 : memref<1x64x256xf32, #tpu.memory_space<vmem>> -> memref<64x256xf32, #tpu.memory_space<vmem>>
      %dma_start3A_250 = tpu.memref_slice %arg3[%select_n3A, %mul3A_243, %mul3A_32] : memref<4x8192x2048xf32, #tpu.memory_space<hbm>> -> memref<1x64x256xf32, #tpu.memory_space<hbm>>
      %dma_start3A_251 = tpu.memref_squeeze %dma_start3A_250 : memref<1x64x256xf32, #tpu.memory_space<hbm>> -> memref<64x256xf32, #tpu.memory_space<hbm>>
      %dma_start3A_252 = tpu.memref_slice %arg7[%dma_start3A_245] : memref<2x!tpu.dma_semaphore, #tpu.memory_space<semaphore_mem>> -> memref<1x!tpu.dma_semaphore, #tpu.memory_space<semaphore_mem>>
      %dma_start3A_253 = tpu.memref_squeeze %dma_start3A_252 : memref<1x!tpu.dma_semaphore, #tpu.memory_space<semaphore_mem>> -> memref<!tpu.dma_semaphore, #tpu.memory_space<semaphore_mem>>
      %dma_start3A_254 = tpu.memref_slice %arg3[%select_n3A, %mul3A_243, %mul3A_32] : memref<4x8192x2048xf32, #tpu.memory_space<hbm>> -> memref<1x64x256xf32, #tpu.memory_space<hbm>>
      %dma_start3A_255 = tpu.memref_squeeze %dma_start3A_254 : memref<1x64x256xf32, #tpu.memory_space<hbm>> -> memref<64x256xf32, #tpu.memory_space<hbm>>
      %dma_start3A_256 = arith.constant 0 : i32
      %dma_start3A_257 = arith.constant 0 : i32
      %dma_start3A_258 = tpu.memref_slice %arg5[%dma_start3A_244, %dma_start3A_256, %dma_start3A_257] : memref<2x64x256xf32, #tpu.memory_space<vmem>> -> memref<1x64x256xf32, #tpu.memory_space<vmem>>
      %dma_start3A_259 = tpu.memref_squeeze %dma_start3A_258 : memref<1x64x256xf32, #tpu.memory_space<vmem>> -> memref<64x256xf32, #tpu.memory_space<vmem>>
      tpu.enqueue_dma source(%dma_start3A_259 : memref<64x256xf32, #tpu.memory_space<vmem>>) target(%dma_start3A_255 : memref<64x256xf32, #tpu.memory_space<hbm>>) target_semaphore(%dma_start3A_253 : memref<!tpu.dma_semaphore, #tpu.memory_space<semaphore_mem>>)
      %lt3A_260 = arith.constant 63 : i32
      %lt3A_261 = arith.cmpi slt, %scan3A_139, %lt3A_260 : i32
      %convert_element_type3A_262 = arith.extui %lt3A_261 : i1 to i32
      %cond3A_263 = arith.constant 0 : i32
      %cond3A_264 = arith.cmpi ne, %convert_element_type3A_262, %cond3A_263 : i32
      scf.if %cond3A_264 {
        %add3A_265 = arith.constant 2 : i32
        %add3A_266 = arith.addi %add3A_212, %add3A_265 : i32
        %mul3A_267 = arith.constant 64 : i32
        %mul3A_268 = arith.muli %add3A_266, %mul3A_267 : i32
        %dma_start3A_269 = arith.constant 1 : i32
        %dma_start3A_270 = arith.constant 1 : i32
        %dma_start3A_271 = arith.constant 0 : i32
        %dma_start3A_272 = arith.constant 0 : i32
        %dma_start3A_273 = tpu.memref_slice %arg4[%dma_start3A_269, %dma_start3A_271, %dma_start3A_272] : memref<2x64x256xf32, #tpu.memory_space<vmem>> -> memref<1x64x256xf32, #tpu.memory_space<vmem>>
        %dma_start3A_274 = tpu.memref_squeeze %dma_start3A_273 : memref<1x64x256xf32, #tpu.memory_space<vmem>> -> memref<64x256xf32, #tpu.memory_space<vmem>>
        %dma_start3A_275 = tpu.memref_slice %arg2[%select_n3A, %mul3A_268, %mul3A_32] : memref<4x8192x2048xf32, #tpu.memory_space<hbm>> -> memref<1x64x256xf32, #tpu.memory_space<hbm>>
        %dma_start3A_276 = tpu.memref_squeeze %dma_start3A_275 : memref<1x64x256xf32, #tpu.memory_space<hbm>> -> memref<64x256xf32, #tpu.memory_space<hbm>>
        %dma_start3A_277 = tpu.memref_slice %arg6[%dma_start3A_270] : memref<2x!tpu.dma_semaphore, #tpu.memory_space<semaphore_mem>> -> memref<1x!tpu.dma_semaphore, #tpu.memory_space<semaphore_mem>>
        %dma_start3A_278 = tpu.memref_squeeze %dma_start3A_277 : memref<1x!tpu.dma_semaphore, #tpu.memory_space<semaphore_mem>> -> memref<!tpu.dma_semaphore, #tpu.memory_space<semaphore_mem>>
        %dma_start3A_279 = arith.constant 0 : i32
        %dma_start3A_280 = arith.constant 0 : i32
        %dma_start3A_281 = tpu.memref_slice %arg4[%dma_start3A_269, %dma_start3A_279, %dma_start3A_280] : memref<2x64x256xf32, #tpu.memory_space<vmem>> -> memref<1x64x256xf32, #tpu.memory_space<vmem>>
        %dma_start3A_282 = tpu.memref_squeeze %dma_start3A_281 : memref<1x64x256xf32, #tpu.memory_space<vmem>> -> memref<64x256xf32, #tpu.memory_space<vmem>>
        %dma_start3A_283 = tpu.memref_slice %arg2[%select_n3A, %mul3A_268, %mul3A_32] : memref<4x8192x2048xf32, #tpu.memory_space<hbm>> -> memref<1x64x256xf32, #tpu.memory_space<hbm>>
        %dma_start3A_284 = tpu.memref_squeeze %dma_start3A_283 : memref<1x64x256xf32, #tpu.memory_space<hbm>> -> memref<64x256xf32, #tpu.memory_space<hbm>>
        tpu.enqueue_dma source(%dma_start3A_284 : memref<64x256xf32, #tpu.memory_space<hbm>>) target(%dma_start3A_282 : memref<64x256xf32, #tpu.memory_space<vmem>>) target_semaphore(%dma_start3A_278 : memref<!tpu.dma_semaphore, #tpu.memory_space<semaphore_mem>>)
      } else {
      }
      scf.yield %scan3A_240#0, %scan3A_240#1, %scan3A_240#2, %scan3A_240#3, %scan3A_240#4, %scan3A_240#5, %scan3A_240#6, %scan3A_240#7, %scan3A_240#8, %scan3A_240#9, %scan3A_240#10, %scan3A_240#11, %scan3A_240#12, %scan3A_240#13, %scan3A_240#14, %scan3A_240#15 : vector<16xf32>, vector<16xf32>, vector<16xf32>, vector<16xf32>, vector<16xf32>, vector<16xf32>, vector<16xf32>, vector<16xf32>, vector<16xf32>, vector<16xf32>, vector<16xf32>, vector<16xf32>, vector<16xf32>, vector<16xf32>, vector<16xf32>, vector<16xf32>
    }
    %scan3A_103 = arith.constant 64 : i32
    %dma_wait3A = arith.constant 0 : i32
    %dma_wait3A_104 = arith.constant 0 : i32
    %dma_wait3A_105 = arith.constant 0 : i32
    %dma_wait3A_106 = arith.constant 0 : i32
    %dma_wait3A_107 = tpu.memref_slice %arg5[%dma_wait3A, %dma_wait3A_105, %dma_wait3A_106] : memref<2x64x256xf32, #tpu.memory_space<vmem>> -> memref<1x64x256xf32, #tpu.memory_space<vmem>>
    %dma_wait3A_108 = tpu.memref_squeeze %dma_wait3A_107 : memref<1x64x256xf32, #tpu.memory_space<vmem>> -> memref<64x256xf32, #tpu.memory_space<vmem>>
    %dma_wait3A_109 = arith.constant 8064 : i32
    %dma_wait3A_110 = tpu.memref_slice %arg3[%select_n3A, %dma_wait3A_109, %mul3A_32] : memref<4x8192x2048xf32, #tpu.memory_space<hbm>> -> memref<1x64x256xf32, #tpu.memory_space<hbm>>
    %dma_wait3A_111 = tpu.memref_squeeze %dma_wait3A_110 : memref<1x64x256xf32, #tpu.memory_space<hbm>> -> memref<64x256xf32, #tpu.memory_space<hbm>>
    %dma_wait3A_112 = tpu.memref_slice %arg7[%dma_wait3A_104] : memref<2x!tpu.dma_semaphore, #tpu.memory_space<semaphore_mem>> -> memref<1x!tpu.dma_semaphore, #tpu.memory_space<semaphore_mem>>
    %dma_wait3A_113 = tpu.memref_squeeze %dma_wait3A_112 : memref<1x!tpu.dma_semaphore, #tpu.memory_space<semaphore_mem>> -> memref<!tpu.dma_semaphore, #tpu.memory_space<semaphore_mem>>
    %dma_wait3A_114 = arith.constant 8064 : i32
    %dma_wait3A_115 = tpu.memref_slice %arg3[%select_n3A, %dma_wait3A_114, %mul3A_32] : memref<4x8192x2048xf32, #tpu.memory_space<hbm>> -> memref<1x64x256xf32, #tpu.memory_space<hbm>>
    %dma_wait3A_116 = tpu.memref_squeeze %dma_wait3A_115 : memref<1x64x256xf32, #tpu.memory_space<hbm>> -> memref<64x256xf32, #tpu.memory_space<hbm>>
    %dma_wait3A_117 = arith.constant 0 : i32
    %dma_wait3A_118 = arith.constant 0 : i32
    %dma_wait3A_119 = tpu.memref_slice %arg5[%dma_wait3A, %dma_wait3A_117, %dma_wait3A_118] : memref<2x64x256xf32, #tpu.memory_space<vmem>> -> memref<1x64x256xf32, #tpu.memory_space<vmem>>
    %dma_wait3A_120 = tpu.memref_squeeze %dma_wait3A_119 : memref<1x64x256xf32, #tpu.memory_space<vmem>> -> memref<64x256xf32, #tpu.memory_space<vmem>>
    tpu.wait_dma2 semaphore(%dma_wait3A_113 : memref<!tpu.dma_semaphore, #tpu.memory_space<semaphore_mem>>) src(%dma_wait3A_120 : memref<64x256xf32, #tpu.memory_space<vmem>>) dst(%dma_wait3A_116 : memref<64x256xf32, #tpu.memory_space<hbm>>)
    %dma_wait3A_121 = arith.constant 1 : i32
    %dma_wait3A_122 = arith.constant 1 : i32
    %dma_wait3A_123 = arith.constant 0 : i32
    %dma_wait3A_124 = arith.constant 0 : i32
    %dma_wait3A_125 = tpu.memref_slice %arg5[%dma_wait3A_121, %dma_wait3A_123, %dma_wait3A_124] : memref<2x64x256xf32, #tpu.memory_space<vmem>> -> memref<1x64x256xf32, #tpu.memory_space<vmem>>
    %dma_wait3A_126 = tpu.memref_squeeze %dma_wait3A_125 : memref<1x64x256xf32, #tpu.memory_space<vmem>> -> memref<64x256xf32, #tpu.memory_space<vmem>>
    %dma_wait3A_127 = arith.constant 8128 : i32
    %dma_wait3A_128 = tpu.memref_slice %arg3[%select_n3A, %dma_wait3A_127, %mul3A_32] : memref<4x8192x2048xf32, #tpu.memory_space<hbm>> -> memref<1x64x256xf32, #tpu.memory_space<hbm>>
    %dma_wait3A_129 = tpu.memref_squeeze %dma_wait3A_128 : memref<1x64x256xf32, #tpu.memory_space<hbm>> -> memref<64x256xf32, #tpu.memory_space<hbm>>
    %dma_wait3A_130 = tpu.memref_slice %arg7[%dma_wait3A_122] : memref<2x!tpu.dma_semaphore, #tpu.memory_space<semaphore_mem>> -> memref<1x!tpu.dma_semaphore, #tpu.memory_space<semaphore_mem>>
    %dma_wait3A_131 = tpu.memref_squeeze %dma_wait3A_130 : memref<1x!tpu.dma_semaphore, #tpu.memory_space<semaphore_mem>> -> memref<!tpu.dma_semaphore, #tpu.memory_space<semaphore_mem>>
    %dma_wait3A_132 = arith.constant 8128 : i32
    %dma_wait3A_133 = tpu.memref_slice %arg3[%select_n3A, %dma_wait3A_132, %mul3A_32] : memref<4x8192x2048xf32, #tpu.memory_space<hbm>> -> memref<1x64x256xf32, #tpu.memory_space<hbm>>
    %dma_wait3A_134 = tpu.memref_squeeze %dma_wait3A_133 : memref<1x64x256xf32, #tpu.memory_space<hbm>> -> memref<64x256xf32, #tpu.memory_space<hbm>>
    %dma_wait3A_135 = arith.constant 0 : i32
    %dma_wait3A_136 = arith.constant 0 : i32
    %dma_wait3A_137 = tpu.memref_slice %arg5[%dma_wait3A_121, %dma_wait3A_135, %dma_wait3A_136] : memref<2x64x256xf32, #tpu.memory_space<vmem>> -> memref<1x64x256xf32, #tpu.memory_space<vmem>>
    %dma_wait3A_138 = tpu.memref_squeeze %dma_wait3A_137 : memref<1x64x256xf32, #tpu.memory_space<vmem>> -> memref<64x256xf32, #tpu.memory_space<vmem>>
    tpu.wait_dma2 semaphore(%dma_wait3A_131 : memref<!tpu.dma_semaphore, #tpu.memory_space<semaphore_mem>>) src(%dma_wait3A_138 : memref<64x256xf32, #tpu.memory_space<vmem>>) dst(%dma_wait3A_134 : memref<64x256xf32, #tpu.memory_space<hbm>>)
    return
  }
}

</mosaic_0001>

<sc_bundles>
// kernel: kernel.3.cloned.1.call-start
scs
__scs_entry_jumppad:
0x0: {  	(pc) =	sbr.rel $0x88, $3  }
0x1: {  	(tag) =	ssettag $0x0;
	lr =	simm.s32 $0x1  }
0x2: {  	[smem:$0x3FA0] =	sst lr;
	_ =	strace $0xD0000000  }
0x3: {  	_ = 	snop  }
0x4: {  	_ = 	snop  }
0x5: {  	_ = 	snop  }
0x6: {  	_ = 	snop  }
0x7: {  	_ = 	snop  }
__scs_overlays_trampoline_lowered:
0x8: {  	[smem:$0x3FAF] =	sst s0  }
0x9: {  	[smem:$0x3FB0] =	sst s1  }
0xa: {  	[smem:$0x3FB1] =	sst s2  }
0xb: {  	[smem:$0x3FB2] =	sst s3  }
0xc: {  	[smem:$0x3FB3] =	sst s4  }
0xd: {  	[smem:$0x3FB4] =	sst s5  }
0xe: {  	[smem:$0x3FB5] =	sst s6  }
0xf: {  	[smem:$0x3FB6] =	sst s7  }
0x10: {  	[smem:$0x3FB7] =	sst s8  }
0x11: {  	[smem:$0x3FB8] =	sst s9;
	s0 =	simm.s32 @!p0 $0x0  }
0x12: {  	s1 =	sld [smem:$0x3F9E];
	s0 =	simm.s32 @p0 $0x1  }
0x13: {  	[smem:$0x3FB9] =	sst s0;
	s0 =	simm.s32 @!p1 $0x0  }
0x14: {  	s2 =	sld [smem:$0x3F9D];
	s0 =	simm.s32 @p1 $0x1  }
0x15: {  	[smem:$0x3FBA] =	sst s0;
	s0 =	simm.s32 @!p2 $0x0  }
0x16: {  	s3 =	sld [smem:$0x3FDB];
	s0 =	simm.s32 @p2 $0x1  }
0x17: {  	s4 =	simm.s32 $0x1BF5;
	[smem:$0x3FBC] =	sst s0  }
0x18: {  	s0 =	sld [smem:$0x3F9F];
	_ =	swait.ge [sflag:s4], $0x0  }
0x19: {  	s7 =	sld [smem:$0x3FA0]  }
0x1a: {  	s8 =	sadd.s32 $0xFFFFE003, lr  }
0x1b: {  	s9 =	sadd.s32 $0xFFFFFEF7, lr;
	s5 =	simm.s32 $0xFFFFFFFF;
	p2 =	slt.u32 s8, $0xFFFFF086  }
0x1c: {  	p1 =	slt.u32 s9, $0xF7A;
	s5 =	simm.s32 @!p2 $0x0  }
0x1d: {  	s5 =	simm.s32 @p1 $0x1;
	p0 =	seq.s32 s7, s2  }
0x1e: {  	s7 =	smul.u32 @!p0 $0xF7A, s2;
	p2 =	seq.s32 @!p0 s5, $0x0  }
0x1f: {  	s9 =	smul.u32 $0xF7A, s1;
	s8 =	simm.s32 @!p0 $0x1BF5;
	p2 =	por !p2, p0  }
0x20: {  	[sflag:s8] =	ssyncset.s32 @!p0 $0xFFFFF086;
	s6 =	sadd.s32 @!p0 s3, s7;
	s7 =	simm.s32 @!p0 $0x108  }
0x21: {  	s3 =	sadd.s32 s3, s9;
	s6 =	sadd.s32 @!p0 $0x88, s6;
	s7 =	simm.s32 @p2 $0x1082  }
0x22: {  	[simem:s7], [sflag:s8] =	dma.local @!p0 [hbm:s6], $0xF7A  }
0x23: {  	s9 =	sor.u32 $0xD0000000, s2;
	s6 =	simm.s32 $0x108;
	_ =	swait.ge @!p0 [sflag:s8], $0x0  }
0x24: {  	s3 =	sadd.s32 $0x88, s3;
	s6 =	simm.s32 @!p1 $0x1082;
	[sflag:s4] =	ssyncset.s32 $0xFFFFF086  }
0x25: {  	[simem:s6], [sflag:s4] =	dma.local [hbm:s3], $0xF7A  }
0x26: {  	[smem:$0x3FA0] =	sst s1;
	(tag) =	ssettag s2;
	_ =	strace s9  }
0x27: {  	s1 =	sld [smem:$0x3FB0]  }
0x28: {  	s2 =	sld [smem:$0x3FB1]  }
0x29: {  	s4 =	sld [smem:$0x3FB3]  }
0x2a: {  	p0 =	seq.s32 s5, $0x0;
	s5 =	sld [smem:$0x3FB4]  }
0x2b: {  	s6 =	sld [smem:$0x3FB5]  }
0x2c: {  	s7 =	sld [smem:$0x3FB6]  }
0x2d: {  	s3 =	simm.s32 $0x108;
	s8 =	sld [smem:$0x3FB7]  }
0x2e: {  	s3 =	simm.s32 @!p0 $0x1082;
	s9 =	sld [smem:$0x3FB8]  }
0x2f: {  	lr =	sadd.s32 s0, s3;
	s0 =	sld [smem:$0x3FAF]  }
0x30: {  	s3 =	sld [smem:$0x3FB2]  }
0x31: {  	[smem:$0x3FBB] =	sst s10  }
0x32: {  	s10 =	sld [smem:$0x3FB9];
	_ =	sdelay $0x3  }
0x33: {  	p0 =	seq.s32 s10, $0x1;
	s10 =	sld [smem:$0x3FBB];
	_ =	sdelay $0x3  }
0x34: {  	[smem:$0x3FBB] =	sst s10  }
0x35: {  	s10 =	sld [smem:$0x3FBA];
	_ =	sdelay $0x3  }
0x36: {  	p1 =	seq.s32 s10, $0x1;
	s10 =	sld [smem:$0x3FBB];
	_ =	sdelay $0x3  }
0x37: {  	[smem:$0x3FBB] =	sst s10  }
0x38: {  	s10 =	sld [smem:$0x3FBC]  }
0x39: {  	_ = 	snop;
	(pc) =	sbr.ind lr, $3  }
0x3a: {  	_ = 	snop  }
0x3b: {  	_ = 	snop  }
0x3c: {  	p2 =	seq.s32 s10, $0x1;
	s10 =	sld [smem:$0x3FBB]  }
0x3d: {  	_ =	shalt  }
0x3e: {  	_ =	shalt  }
0x3f: {  	_ =	shalt  }
0x40: {  	_ =	shalt  }
0x41: {  	_ =	shalt  }
0x42: {  	_ =	shalt  }
0x43: {  	_ =	shalt  }
0x44: {  	_ =	shalt  }
0x45: {  	_ =	shalt  }
0x46: {  	_ =	shalt  }
0x47: {  	_ =	shalt  }
0x48: {  	_ =	shalt  }
0x49: {  	_ =	shalt  }
0x4a: {  	_ =	shalt  }
0x4b: {  	_ =	shalt  }
0x4c: {  	_ =	shalt  }
0x4d: {  	_ =	shalt  }
0x4e: {  	_ =	shalt  }
0x4f: {  	_ =	shalt  }
0x50: {  	_ =	shalt  }
0x51: {  	_ =	shalt  }
0x52: {  	_ =	shalt  }
0x53: {  	_ =	shalt  }
0x54: {  	_ =	shalt  }
0x55: {  	_ =	shalt  }
0x56: {  	_ =	shalt  }
0x57: {  	_ =	shalt  }
0x58: {  	_ =	shalt  }
0x59: {  	_ =	shalt  }
0x5a: {  	_ =	shalt  }
0x5b: {  	_ =	shalt  }
0x5c: {  	_ =	shalt  }
0x5d: {  	_ =	shalt  }
0x5e: {  	_ =	shalt  }
0x5f: {  	_ =	shalt  }
0x60: {  	_ =	shalt  }
0x61: {  	_ =	shalt  }
0x62: {  	_ =	shalt  }
0x63: {  	_ =	shalt  }
0x64: {  	_ =	shalt  }
0x65: {  	_ =	shalt  }
0x66: {  	_ =	shalt  }
0x67: {  	_ =	shalt  }
0x68: {  	_ =	shalt  }
0x69: {  	_ =	shalt  }
0x6a: {  	_ =	shalt  }
0x6b: {  	_ =	shalt  }
0x6c: {  	_ =	shalt  }
0x6d: {  	_ =	shalt  }
0x6e: {  	_ =	shalt  }
0x6f: {  	_ =	shalt  }
0x70: {  	_ =	shalt  }
0x71: {  	_ =	shalt  }
0x72: {  	_ =	shalt  }
0x73: {  	_ =	shalt  }
0x74: {  	_ =	shalt  }
0x75: {  	_ =	shalt  }
0x76: {  	_ =	shalt  }
0x77: {  	_ =	shalt  }
0x78: {  	_ =	shalt  }
0x79: {  	_ =	shalt  }
0x7a: {  	_ =	shalt  }
0x7b: {  	_ =	shalt  }
0x7c: {  	_ =	shalt  }
0x7d: {  	_ =	shalt  }
0x7e: {  	_ =	shalt  }
0x7f: {  	_ =	shalt  }
0x80: {  	_ =	shalt  }
0x81: {  	_ =	shalt  }
0x82: {  	_ =	shalt  }
0x83: {  	_ =	shalt  }
0x84: {  	_ =	shalt  }
0x85: {  	_ =	shalt  }
0x86: {  	_ =	shalt  }
0x87: {  	_ =	shalt  }
.Lfunc_end0:
.L_simem_size_0:
called_computation_lowered:
.L_overlay_start_0:
0x88: {  	s2 =	sld [smem:$0x3FD9]  }
0x89: {  	s3 =	sld [smem:$0x3FFE];
	_ =	sdelay $0x1  }
0x8a: {  	s1 =	srdreg.scid  }
0x8b: {  	s0 =	sand.u32 $0x1, s1  }
0x8c: {  	s18 =	sshll.u32 s0, $0xA;
	s2 =	sadd.s32 s3, s2  }
0x8d: {  	s2 =	sadd.s32 s2, s18  }
0x8e: {  	[smem:$0x3FC7] =	sst s2  }
0x8f: {  	_ = 	snop  }
0x90: {  	s2 =	sld [smem:$0x3FC9]  }
0x91: {  	s19 =	sld [smem:$0x3FD0];
	(tm) =	ssettm $0x1  }
0x92: {  	s4 =	sld [smem:$0x3FFB];
	_ =	sdelay $0x3  }
0x93: {  	_ =	strace s4  }
0x94: {  	s4 =	sld [smem:$0x3FFC];
	_ =	sdelay $0x3  }
0x95: {  	_ =	strace s4  }
0x96: {  	s4 =	sld [smem:$0x3FFD];
	_ =	sdelay $0x3  }
0x97: {  	_ =	strace s4  }
0x98: {  	_ =	strace $0x8FFFFFFF  }
0x99: {  	s20 =	sld [smem:$0x3FDB];
	_ =	sdelay $0x1  }
0x9a: {  	s5 =	simm.s32 $_scs_section_size  }
0x9b: {  	s6 =	simm.s32 $_size__tile_overlayer_lowered;
	s7 =	simm.s32 $_tile_overlayer_lowered  }
0x9c: {  	s23 =	simm.s32 $0x1BFF;
	s22 =	sshll.u32 s7, $0x1;
	s4 =	sadd.s32 s5, s20  }
0x9d: {  	s8 =	simm.s32 $0x0;
	s21 =	sshll.u32 s6, $0x1;
	s6 =	sadd.s32 s22, s4  }
0x9e: {  	[timem:s8], [sflag:s23] =	dma.local [hbm:s6], s21  }
0x9f: {  	_ =	swait.ge [sflag:s23], s21  }
0xa0: {  	s5 =	ssub.s32 $0x0, s21;
	[sflag:s23] =	ssyncset.done $0x0  }
0xa1: {  	[sflag:s23] =	ssyncadd.s32 s5;
	_ =	sdelay $0x1  }
0xa2: {  	s24 =	simm.s32 $0x1B8B  }
0xa3: {  	_ =	swait.ge [sflag:s24], $0x1  }
0xa4: {  	[sflag:s24] =	ssyncset.done $0x0  }
0xa5: {  	s25 =	simm.s32 $0x1B8E;
	[sflag:s24] =	ssyncadd.s32 $0xFFFFFFFF  }
0xa6: {  	s26 =	simm.s32 $execute0_lowered;
	[smem:$0x3FD2] =	sst s25  }
0xa7: {  	s5 =	sshll.u32 s26, $0x1;
	_ =	strace $0x80000046;
	[dreg:$0x1] =	wrdreg $0xFFFFFFFF  }
0xa8: {  	s28 =	simm.s32 $_size_execute0_lowered;
	s4 =	sadd.s32 s4, s5;
	[dreg:$0x0] =	wrdreg $0x0  }
0xa9: {  	s5 =	sshll.u32 s28, $0x1;
	[dreg:$0x2] =	wrdreg s4  }
0xaa: {  	[dreg:$0x3] =	wrdreg s5  }
0xab: {  	[dreg:$0x4] =	wrdreg $0xC0  }
0xac: {  	_ =	task [dreg:s8], $0x5FFFF  }
0xad: {  	[dreg:$0x1] =	wrdreg $0xFFFFFFFF  }
0xae: {  	[dreg:$0x0] =	wrdreg $0x60  }
0xaf: {  	[dreg:$0x2] =	wrdreg s2  }
0xb0: {  	[dreg:$0x3] =	wrdreg s19  }
0xb1: {  	[dreg:$0x4] =	wrdreg $0x9  }
0xb2: {  	_ =	task.clear_ibuf [dreg:s8], $0x5FFFF;
	_ =	strace $0x90000046  }
0xb3: {  	s29 =	simm.s32 $0x9;
	_ =	strace $0x80000048  }
0xb4: {  	_ =	swait.ge [sflag:s29], $0x1  }
0xb5: {  	[sflag:s29] =	ssyncadd.s32 $0xFFFFFFFF  }
0xb6: {  	_ =	strace $0x90000048  }
0xb7: {  	_ =	sfence  }
0xb8: {  	s30 =	sld [smem:$0x0];
	_ =	sdelay $0x2  }
0xb9: {  	s31 =	sshll.u32 s1, $0xD;
	s1 =	sshrl.u32 s1, $0x2  }
0xba: {  	s3 =	sand.u32 $0x4000, s31;
	s1 =	sadd.s32 s1, s30  }
0xbb: {  	s0 =	sor.u32 s3, s0;
	s1 =	sshll.u32 s1, $0x11  }
0xbc: {  	s0 =	sor.u32 s1, s0  }
0xbd: {  	s0 =	sadd.s32 $0x8F2B, s0  }
0xbe: {  	[sflag:s0] =	ssyncadd.remote.s32 $0x1  }
0xbf: {  	_ =	sfence.sel $0xFFFF  }
0xc0: {  	[dreg:$0x0] =	wrdreg $0xFFFFFFFF;
	(pc) =	sbr.abs _section_cstart, $3  }
0xc1: {  	[dreg:$0x1] =	wrdreg $0xFFFFFFFF  }
0xc2: {  	_ =	task.clear_ibuf [dreg:s8], $0x2FFFF;
	_ =	strace $0x9FFFFFFF  }
0xc3: {  	(tm) =	ssettm $0x7FFFFFFF  }
tec
execute0_lowered:
.L_overlay_start_1:
0x0: {  	(tag) =	ssettag $0x1  }
0x1: {  	s0 =	stileid.u32;
	s1 =	srdreg.scid  }
0x2: {  	s3 =	rddreg [dreg:$0x1];
	s11 =	simm.s32 $0x800;
	s12 =	simm.s32 $0x4000  }
0x3: {  	s13 =	simm.s32 $0x1;
	s14 =	simm.s32 $0x8000;
	s15 =	simm.s32 $0x2  }
0x4: {  	s16 =	simm.s32 $0x4;
	s17 =	simm.s32 $0xC000;
	s18 =	simm.s32 $0x3  }
0x5: {  	s19 =	simm.s32 $0x0;
	s2 =	sshll.u32 s0, $0x1;
	s6 =	sand.u32 $0x1, s1  }
0x6: {  	s4 =	sshll.u32 s0, $0x16;
	s30 =	sand.u32 $0x6, s2;
	s2 =	rddreg [dreg:$0x0]  }
0x7: {  	s4 =	sand.u32 $0x3000000, s4;
	s7 =	ssub.s32 $0x2, s6;
	s1 =	sor.u32 s6, s30  }
.Ltmp0:
0x8: {  	s8 =	sshrl.u32 s7, $0x1;
	s5 =	sshll.u32 s1, $0xB;
	(pc) =	sbr.rel .LBB2_1-.Ltmp0, $4  }
0x9: {  	s1 =	rddreg [dreg:$0x2];
	s10 =	ssub.s32 s7, s8;
	s4 =	sor.u32 s4, s5  }
0xa: {  	s5 =	simm.s32 $0x0;
	s10 =	smax.u32 s10, $0x1;
	s31 =	sshrl.u32 s4, $0x3  }
0xb: {  	[smem:$0x7FF] =	sst s5;
	s8 =	sor.u32 $0x40000, s4;
	s6 =	sadd.s32 s2, s31  }
0xc: {  	s9 =	sor.u32 $0x60000, s4;
	_ =	strace $0x80000047;
	s7 =	sadd.s32 $0x4000, s6  }
.LBB2_12:
0xd: {  	s19 =	sadd.s32 $0x1, s19  }
0xe: {  	_ =	swait.ge [sflag:s18], $0x4000;
	p0 =	sne.s32 s19, s10  }
.Ltmp1:
0xf: {  	[sflag:s18] =	ssyncset.done $0x0;
	(pc) =	sbr.rel @!p0 .LBB2_13-.Ltmp1, $4  }
0x10: {  	[sflag:s18] =	ssyncadd.s32 $0xFFFFC000  }
0x11: {  	_ =	swait.ge [sflag:s16], $0x4000  }
0x12: {  	[sflag:s16] =	ssyncset.done $0x0  }
0x13: {  	[sflag:s16] =	ssyncadd.s32 $0xFFFFC000  }
.LBB2_1:
0x14: {  	v0 =	vimm.f32 $0.0e+00  }
0x15: {  	v1 =	vimm.f32 $0.0e+00;
	v25 =	vimm.f32 $0.0e+00;
	v19 =	vimm.f32 $0.0e+00  }
0x16: {  	v28 =	vimm.f32 $0.0e+00;
	v22 =	vimm.f32 $0.0e+00;
	v29 =	vimm.f32 $0.0e+00  }
0x17: {  	[tilespmem:s5], [sflag:$0x1] =	stream.strided.gather [hbm4b:s6+s11], $0x4000, s12, s11, $0x38;
	v23 =	vimm.f32 $0.0e+00;
	v30 =	vimm.f32 $0.0e+00;
	v26 =	vimm.f32 $0.0e+00;
	[tilespmem:$0x10000] =	vst v63  }
0x18: {  	v24 =	vimm.f32 $0.0e+00;
	v27 =	vimm.f32 $0.0e+00;
	v20 =	vimm.f32 $0.0e+00;
	s20 =	simm.s32 $0x0  }
0x19: {  	v21 =	vimm.f32 $0.0e+00;
	v18 =	vimm.f32 $0.0e+00;
	v17 =	vimm.f32 $0.0e+00;
	[tilespmem:s12], [sflag:$0x2] =	stream.strided.gather [hbm4b:s7+s11], $0x4000, s12, s11, $0x38;
	[tilespmem:$0x10000] =	vst v63  }
.LBB2_2:
0x1a: {  	_ =	swait.ge [sflag:s13], $0x4000  }
0x1b: {  	p0 =	seq.s32 s20, $0x0;
	[sflag:s13] =	ssyncset.done $0x0  }
0x1c: {  	s21 =	simm.s32 @!p0 $0x3;
	[sflag:s13] =	ssyncadd.s32 $0xFFFFC000  }
0x1d: {  	s22 =	simm.s32 $0x0;
	_ =	swait.ge @!p0 [sflag:s21], $0x4000  }
0x1e: {  	s23 =	sand.u32 $0x3800, s22;
	s22 =	sand.u32 $0x300, s22;
	[sflag:s21] =	ssyncset.done @!p0 $0x0  }
0x1f: {  	s23 =	sor.u32 s22, s23;
	[sflag:s21] =	ssyncadd.s32 @!p0 $0xFFFFC000  }
0x20: {  	v2 =	vld [tilespmem:s23+$0x80]  }
0x21: {  	v4 =	vld [tilespmem:s23+$0xA0]  }
0x22: {  	v3 =	vld [tilespmem:s23+$0xC0]  }
0x23: {  	v5 =	vld [tilespmem:s23+$0xE0]  }
0x24: {  	v6 =	vld [tilespmem:s23+$0x480]  }
0x25: {  	v7 =	vld [tilespmem:s23+$0x4A0]  }
0x26: {  	v10 =	vld [tilespmem:s23+$0x4C0]  }
0x27: {  	v34 =	vld [tilespmem:s23+$0x4E0]  }
0x28: {  	v8 =	vld [tilespmem:s23+$0x0]  }
0x29: {  	v9 =	vld [tilespmem:s23+$0x10]  }
0x2a: {  	v11 =	vld [tilespmem:s23+$0x20]  }
0x2b: {  	v12 =	vld [tilespmem:s23+$0x30]  }
0x2c: {  	v13 =	vld [tilespmem:s23+$0x40]  }
0x2d: {  	v14 =	vld [tilespmem:s23+$0x50]  }
0x2e: {  	v15 =	vld [tilespmem:s23+$0x60]  }
0x2f: {  	v16 =	vld [tilespmem:s23+$0x70]  }
0x30: {  	v35 =	vld [tilespmem:s23+$0x400]  }
0x31: {  	v36 =	vld [tilespmem:s23+$0x410]  }
0x32: {  	v37 =	vld [tilespmem:s23+$0x420]  }
0x33: {  	v38 =	vld [tilespmem:s23+$0x430]  }
0x34: {  	v39 =	vld [tilespmem:s23+$0x440]  }
0x35: {  	v40 =	vld [tilespmem:s23+$0x470];
	v17 =	vadd.f32 v8, v17;
	v18 =	vadd.f32 v9, v18  }
0x36: {  	v8 =	vld [tilespmem:s23+$0x460];
	v21 =	vadd.f32 v11, v21;
	v20 =	vadd.f32 v12, v20  }
0x37: {  	v41 =	vld [tilespmem:s23+$0x450];
	v27 =	vadd.f32 v13, v27;
	v24 =	vadd.f32 v14, v24;
	[tilespmem:s23+$0x8000] =	vst v17  }
0x38: {  	v42 =	vld [tilespmem:s23+$0x4F0];
	v32 =	vadd.f32 v15, v26;
	v26 =	vadd.f32 v16, v30;
	[tilespmem:s23+$0x8010] =	vst v18  }
0x39: {  	v31 =	vld [tilespmem:s23+$0x4D0];
	v14 =	vadd.f32 v35, v23;
	v12 =	vadd.f32 v36, v29;
	[tilespmem:s23+$0x8020] =	vst v21  }
0x3a: {  	v33 =	vld [tilespmem:s23+$0x4B0];
	v13 =	vadd.f32 v37, v22;
	v11 =	vadd.f32 v38, v28;
	[tilespmem:s23+$0x8030] =	vst v20  }
0x3b: {  	v29 =	vld [tilespmem:s23+$0x490];
	[tilespmem:s23+$0x8040] =	vst v27;
	v9 =	vadd.f32 v8, v1;
	v8 =	vadd.f32 v40, v0  }
0x3c: {  	s24 =	simm.s32 $0x100;
	v28 =	vld [tilespmem:s23+$0xF0];
	v16 =	vadd.f32 v39, v19;
	v15 =	vadd.f32 v41, v25;
	[tilespmem:s23+$0x8050] =	vst v24  }
0x3d: {  	s25 =	simm.s32 $0x200;
	s22 =	simm.s32 $0x0;
	s21 =	sshll.u32 s20, $0x12;
	v30 =	vld [tilespmem:s23+$0xD0];
	[tilespmem:s23+$0x8060] =	vst v32;
	v0 =	vadd.f32 v34, v9;
	v1 =	vadd.f32 v42, v8  }
.LBB2_3:
0x3e: {  	s26 =	sand.u32 $0x3800, s25;
	s28 =	sand.u32 $0x300, s24;
	[tilespmem:s23+$0x8070] =	vst v26;
	v19 =	vld [tilespmem:s23+$0xB0];
	v22 =	vadd.f32 v10, v16;
	v23 =	vadd.f32 v31, v15  }
0x3f: {  	v25 =	vadd.f32 v7, v13;
	s26 =	sor.u32 s28, s26;
	v10 =	vld [tilespmem:s23+$0x90];
	v33 =	vadd.f32 v33, v11;
	[tilespmem:s23+$0x84E0] =	vst v0  }
0x40: {  	v34 =	vadd.f32 v6, v14;
	v31 =	vld [tilespmem:s26+$0x80];
	v29 =	vadd.f32 v29, v12;
	[tilespmem:s23+$0x84C0] =	vst v22  }
0x41: {  	v32 =	vadd.f32 v5, v32;
	v35 =	vld [tilespmem:s26+$0xA0];
	v26 =	vadd.f32 v28, v26;
	[tilespmem:s23+$0x84A0] =	vst v25  }
0x42: {  	v27 =	vadd.f32 v3, v27;
	v3 =	vld [tilespmem:s26+$0xC0];
	v24 =	vadd.f32 v30, v24;
	[tilespmem:s23+$0x8480] =	vst v34  }
0x43: {  	v21 =	vadd.f32 v4, v21;
	v5 =	vld [tilespmem:s26+$0xE0];
	v19 =	vadd.f32 v19, v20;
	[tilespmem:s23+$0x80E0] =	vst v32  }
0x44: {  	v17 =	vadd.f32 v2, v17;
	v6 =	vld [tilespmem:s26+$0x480];
	v18 =	vadd.f32 v10, v18;
	[tilespmem:s23+$0x80C0] =	vst v27  }
0x45: {  	v7 =	vld [tilespmem:s26+$0x4A0];
	[tilespmem:s23+$0x80A0] =	vst v21;
	v2 =	vmov v31  }
0x46: {  	v10 =	vld [tilespmem:s26+$0x4C0];
	[tilespmem:s23+$0x8080] =	vst v17;
	v4 =	vmov v35  }
0x47: {  	v35 =	vld [tilespmem:s26+$0x4E0];
	[tilespmem:s23+$0x8090] =	vst v18  }
0x48: {  	v20 =	vld [tilespmem:s26+$0x0];
	[tilespmem:s23+$0x80B0] =	vst v19  }
0x49: {  	v28 =	vld [tilespmem:s26+$0x10];
	[tilespmem:s23+$0x80D0] =	vst v24  }
0x4a: {  	v30 =	vld [tilespmem:s26+$0x20];
	[tilespmem:s23+$0x80F0] =	vst v26  }
0x4b: {  	v31 =	vld [tilespmem:s26+$0x30];
	[tilespmem:s23+$0x8490] =	vst v29  }
0x4c: {  	v36 =	vld [tilespmem:s26+$0x40];
	[tilespmem:s23+$0x84B0] =	vst v33  }
0x4d: {  	v37 =	vld [tilespmem:s26+$0x50];
	[tilespmem:s23+$0x84D0] =	vst v23  }
0x4e: {  	v38 =	vld [tilespmem:s26+$0x60];
	[tilespmem:s23+$0x84F0] =	vst v1  }
0x4f: {  	v39 =	vld [tilespmem:s26+$0x70];
	[tilespmem:s23+$0x8400] =	vst v14  }
0x50: {  	v14 =	vld [tilespmem:s26+$0x400];
	[tilespmem:s23+$0x8410] =	vst v12  }
0x51: {  	v12 =	vld [tilespmem:s26+$0x410];
	[tilespmem:s23+$0x8420] =	vst v13  }
0x52: {  	v13 =	vld [tilespmem:s26+$0x420];
	[tilespmem:s23+$0x8430] =	vst v11  }
0x53: {  	v11 =	vld [tilespmem:s26+$0x430];
	[tilespmem:s23+$0x8440] =	vst v16  }
0x54: {  	s22 =	sadd.s32 $0x2, s22;
	v16 =	vld [tilespmem:s26+$0x440];
	[tilespmem:s23+$0x8450] =	vst v15  }
0x55: {  	p1 =	slt.u32 s22, $0x3E;
	v17 =	vadd.f32 v20, v17;
	v18 =	vadd.f32 v28, v18;
	v15 =	vld [tilespmem:s26+$0x460];
	[tilespmem:s23+$0x8460] =	vst v9  }
0x56: {  	v21 =	vadd.f32 v30, v21;
	v20 =	vadd.f32 v31, v19;
	v19 =	vld [tilespmem:s26+$0x470];
	[tilespmem:s23+$0x8470] =	vst v8;
	s23 =	smov.u32 s26  }
0x57: {  	v27 =	vadd.f32 v36, v27;
	v24 =	vadd.f32 v37, v24;
	[tilespmem:s23+$0x8000] =	vst v17;
	v28 =	vld [tilespmem:s23+$0x450]  }
0x58: {  	v32 =	vadd.f32 v38, v32;
	v26 =	vadd.f32 v39, v26;
	[tilespmem:s23+$0x8010] =	vst v18;
	v36 =	vld [tilespmem:s23+$0x4F0]  }
.Ltmp2:
0x59: {  	v14 =	vadd.f32 v14, v34;
	v12 =	vadd.f32 v12, v29;
	[tilespmem:s23+$0x8020] =	vst v21;
	v31 =	vld [tilespmem:s23+$0x4D0];
	(pc) =	sbr.rel @p1 .LBB2_3-.Ltmp2, $4  }
0x5a: {  	v13 =	vadd.f32 v13, v25;
	v11 =	vadd.f32 v11, v33;
	[tilespmem:s23+$0x8030] =	vst v20;
	v33 =	vld [tilespmem:s23+$0x4B0]  }
0x5b: {  	v9 =	vadd.f32 v15, v0;
	[tilespmem:s23+$0x8040] =	vst v27;
	v8 =	vadd.f32 v19, v1;
	v29 =	vld [tilespmem:s23+$0x490]  }
0x5c: {  	v16 =	vadd.f32 v16, v22;
	[tilespmem:s23+$0x8050] =	vst v24;
	v15 =	vadd.f32 v28, v23;
	v28 =	vld [tilespmem:s23+$0xF0]  }
0x5d: {  	s24 =	sadd.s32 $0x100, s24;
	s25 =	sadd.s32 $0x200, s25;
	v0 =	vadd.f32 v35, v9;
	[tilespmem:s23+$0x8060] =	vst v32;
	v30 =	vld [tilespmem:s23+$0xD0];
	v1 =	vadd.f32 v36, v8  }
0x5e: {  	[tilespmem:s23+$0x8070] =	vst v26  }
0x5f: {  	[tilespmem:s23+$0x8400] =	vst v14  }
0x60: {  	[tilespmem:s23+$0x8410] =	vst v12  }
0x61: {  	[tilespmem:s23+$0x8420] =	vst v13  }
0x62: {  	[tilespmem:s23+$0x8430] =	vst v11  }
0x63: {  	[tilespmem:s23+$0x8440] =	vst v16  }
0x64: {  	[tilespmem:s23+$0x8450] =	vst v15  }
0x65: {  	[tilespmem:s23+$0x8460] =	vst v9  }
0x66: {  	[tilespmem:s23+$0x8470] =	vst v8  }
0x67: {  	v19 =	vadd.f32 v10, v16;
	[tilespmem:s23+$0x84E0] =	vst v0  }
0x68: {  	v22 =	vadd.f32 v7, v13;
	[tilespmem:s23+$0x84F0] =	vst v1  }
0x69: {  	v23 =	vadd.f32 v6, v14;
	[tilespmem:s23+$0x84C0] =	vst v19  }
0x6a: {  	v25 =	vadd.f32 v5, v32;
	[tilespmem:s23+$0x84A0] =	vst v22  }
0x6b: {  	v27 =	vadd.f32 v3, v27;
	[tilespmem:s23+$0x8480] =	vst v23  }
0x6c: {  	v21 =	vadd.f32 v4, v21;
	[tilespmem:s23+$0x80E0] =	vst v25  }
0x6d: {  	v17 =	vadd.f32 v2, v17;
	[tilespmem:s23+$0x80C0] =	vst v27  }
0x6e: {  	v63 =	vld [tilespmem:s23+$0x90];
	[tilespmem:s23+$0x80A0] =	vst v21;
	v29 =	vadd.f32 v29, v12  }
0x6f: {  	v34 =	vld [tilespmem:s23+$0xB0];
	[tilespmem:s23+$0x8080] =	vst v17;
	v24 =	vadd.f32 v30, v24  }
0x70: {  	v30 =	vadd.f32 v28, v26;
	[tilespmem:s23+$0x8490] =	vst v29  }
0x71: {  	v28 =	vadd.f32 v33, v11;
	[tilespmem:s23+$0x80D0] =	vst v24  }
0x72: {  	p1 =	sne.s32 s20, $0x3F;
	v26 =	vadd.f32 v31, v15;
	[tilespmem:s23+$0x80F0] =	vst v30  }
.Ltmp3:
0x73: {  	v18 =	vadd.f32 v63, v18;
	[tilespmem:s23+$0x84B0] =	vst v28;
	(pc) =	sbr.rel @p1 .LBB2_6-.Ltmp3, $4  }
0x74: {  	s22 =	sor.u32 s21, s4;
	v20 =	vadd.f32 v34, v20;
	[tilespmem:s23+$0x84D0] =	vst v26  }
0x75: {  	s22 =	sshrl.u32 s22, $0x3;
	[tilespmem:s23+$0x8090] =	vst v18  }
0x76: {  	s31 =	sadd.s32 s3, s22;
	[tilespmem:s23+$0x80B0] =	vst v20  }
0x77: {  	[hbm4b:s31+s11] =	stream.strided.scatter [tilespmem:s14], [sflag:$0x3], $0x4000, s12, s11, $0x38;
	[tilespmem:$0x10000] =	vst v63  }
.Ltmp4:
0x78: {  	(pc) =	sbr.rel .LBB2_7-.Ltmp4, $4  }
0x79: {  	_ = 	snop  }
0x7a: {  	_ =	swait.ge [sflag:s15], $0x4000  }
0x7b: {  	[sflag:s15] =	ssyncset.done $0x0  }
0x7c: {  	[sflag:s15] =	ssyncadd.s32 $0xFFFFC000  }
.LBB2_6:
0x7d: {  	s23 =	sadd.s32 s21, s8  }
0x7e: {  	s23 =	sshrl.u32 s23, $0x3  }
.Ltmp5:
0x7f: {  	s23 =	sadd.s32 s2, s23;
	(pc) =	sbr.rel @p0 .LBB2_8-.Ltmp5, $4  }
0x80: {  	[tilespmem:s5], [sflag:$0x1] =	stream.strided.gather [hbm4b:s23+s11], $0x4000, s12, s11, $0x38;
	[tilespmem:$0x10000] =	vst v63  }
0x81: {  	_ =	swait.ge [sflag:s15], $0x4000  }
0x82: {  	[sflag:s15] =	ssyncset.done $0x0  }
0x83: {  	[sflag:s15] =	ssyncadd.s32 $0xFFFFC000  }
.LBB2_7:
0x84: {  	_ =	swait.ge [sflag:s16], $0x4000  }
0x85: {  	[sflag:s16] =	ssyncset.done $0x0  }
0x86: {  	[sflag:s16] =	ssyncadd.s32 $0xFFFFC000  }
.LBB2_8:
0x87: {  	s23 =	simm.s32 $0x0  }
0x88: {  	s24 =	sand.u32 $0x3800, s23;
	s23 =	sand.u32 $0x300, s23  }
0x89: {  	s23 =	sor.u32 s23, s24  }
0x8a: {  	v2 =	vld [tilespmem:s23+$0x4080]  }
0x8b: {  	v4 =	vld [tilespmem:s23+$0x40A0]  }
0x8c: {  	v3 =	vld [tilespmem:s23+$0x40C0]  }
0x8d: {  	v5 =	vld [tilespmem:s23+$0x40E0]  }
0x8e: {  	v6 =	vld [tilespmem:s23+$0x4480]  }
0x8f: {  	v7 =	vld [tilespmem:s23+$0x44A0]  }
0x90: {  	v10 =	vld [tilespmem:s23+$0x44C0]  }
0x91: {  	v34 =	vld [tilespmem:s23+$0x44E0]  }
0x92: {  	v8 =	vld [tilespmem:s23+$0x4000]  }
0x93: {  	v9 =	vld [tilespmem:s23+$0x4010]  }
0x94: {  	v11 =	vld [tilespmem:s23+$0x4020]  }
0x95: {  	v12 =	vld [tilespmem:s23+$0x4030]  }
0x96: {  	v13 =	vld [tilespmem:s23+$0x4040]  }
0x97: {  	v14 =	vld [tilespmem:s23+$0x4050]  }
0x98: {  	v15 =	vld [tilespmem:s23+$0x4060]  }
0x99: {  	v16 =	vld [tilespmem:s23+$0x4070]  }
0x9a: {  	v35 =	vld [tilespmem:s23+$0x4400]  }
0x9b: {  	v36 =	vld [tilespmem:s23+$0x4410]  }
0x9c: {  	v37 =	vld [tilespmem:s23+$0x4420]  }
0x9d: {  	v38 =	vld [tilespmem:s23+$0x4430]  }
0x9e: {  	v39 =	vld [tilespmem:s23+$0x4440]  }
0x9f: {  	v40 =	vld [tilespmem:s23+$0x4470];
	v17 =	vadd.f32 v8, v17;
	v18 =	vadd.f32 v9, v18  }
0xa0: {  	v8 =	vld [tilespmem:s23+$0x4460];
	v21 =	vadd.f32 v11, v21;
	v20 =	vadd.f32 v12, v20  }
0xa1: {  	v41 =	vld [tilespmem:s23+$0x4450];
	v27 =	vadd.f32 v13, v27;
	v24 =	vadd.f32 v14, v24;
	[tilespmem:s23+$0xC000] =	vst v17  }
0xa2: {  	v42 =	vld [tilespmem:s23+$0x44F0];
	v32 =	vadd.f32 v15, v25;
	v25 =	vadd.f32 v16, v30;
	[tilespmem:s23+$0xC010] =	vst v18  }
0xa3: {  	v31 =	vld [tilespmem:s23+$0x44D0];
	v14 =	vadd.f32 v35, v23;
	v12 =	vadd.f32 v36, v29;
	[tilespmem:s23+$0xC020] =	vst v21  }
0xa4: {  	v33 =	vld [tilespmem:s23+$0x44B0];
	v13 =	vadd.f32 v37, v22;
	v11 =	vadd.f32 v38, v28;
	[tilespmem:s23+$0xC030] =	vst v20  }
0xa5: {  	v29 =	vld [tilespmem:s23+$0x4490];
	[tilespmem:s23+$0xC040] =	vst v27;
	v9 =	vadd.f32 v8, v0;
	v8 =	vadd.f32 v40, v1  }
0xa6: {  	v28 =	vld [tilespmem:s23+$0x40F0];
	v16 =	vadd.f32 v39, v19;
	v15 =	vadd.f32 v41, v26;
	[tilespmem:s23+$0xC050] =	vst v24  }
0xa7: {  	s25 =	simm.s32 $0x100;
	s26 =	simm.s32 $0x200;
	s24 =	simm.s32 $0x0;
	v30 =	vld [tilespmem:s23+$0x40D0];
	[tilespmem:s23+$0xC060] =	vst v32;
	v1 =	vadd.f32 v34, v9;
	v0 =	vadd.f32 v42, v8  }
.LBB2_9:
0xa8: {  	s28 =	sand.u32 $0x3800, s26;
	s29 =	sand.u32 $0x300, s25;
	[tilespmem:s23+$0xC070] =	vst v25;
	v19 =	vld [tilespmem:s23+$0x40B0];
	v22 =	vadd.f32 v10, v16;
	v23 =	vadd.f32 v31, v15  }
0xa9: {  	v26 =	vadd.f32 v7, v13;
	s28 =	sor.u32 s29, s28;
	v10 =	vld [tilespmem:s23+$0x4090];
	v33 =	vadd.f32 v33, v11;
	[tilespmem:s23+$0xC4E0] =	vst v1  }
0xaa: {  	v34 =	vadd.f32 v6, v14;
	v31 =	vld [tilespmem:s28+$0x4080];
	v29 =	vadd.f32 v29, v12;
	[tilespmem:s23+$0xC4C0] =	vst v22  }
0xab: {  	v32 =	vadd.f32 v5, v32;
	v35 =	vld [tilespmem:s28+$0x40A0];
	v25 =	vadd.f32 v28, v25;
	[tilespmem:s23+$0xC4A0] =	vst v26  }
0xac: {  	v27 =	vadd.f32 v3, v27;
	v3 =	vld [tilespmem:s28+$0x40C0];
	v24 =	vadd.f32 v30, v24;
	[tilespmem:s23+$0xC480] =	vst v34  }
0xad: {  	v21 =	vadd.f32 v4, v21;
	v5 =	vld [tilespmem:s28+$0x40E0];
	v19 =	vadd.f32 v19, v20;
	[tilespmem:s23+$0xC0E0] =	vst v32  }
0xae: {  	v17 =	vadd.f32 v2, v17;
	v6 =	vld [tilespmem:s28+$0x4480];
	v18 =	vadd.f32 v10, v18;
	[tilespmem:s23+$0xC0C0] =	vst v27  }
0xaf: {  	v7 =	vld [tilespmem:s28+$0x44A0];
	[tilespmem:s23+$0xC0A0] =	vst v21;
	v2 =	vmov v31  }
0xb0: {  	v10 =	vld [tilespmem:s28+$0x44C0];
	[tilespmem:s23+$0xC080] =	vst v17;
	v4 =	vmov v35  }
0xb1: {  	v35 =	vld [tilespmem:s28+$0x44E0];
	[tilespmem:s23+$0xC090] =	vst v18  }
0xb2: {  	v20 =	vld [tilespmem:s28+$0x4000];
	[tilespmem:s23+$0xC0B0] =	vst v19  }
0xb3: {  	v28 =	vld [tilespmem:s28+$0x4010];
	[tilespmem:s23+$0xC0D0] =	vst v24  }
0xb4: {  	v30 =	vld [tilespmem:s28+$0x4020];
	[tilespmem:s23+$0xC0F0] =	vst v25  }
0xb5: {  	v31 =	vld [tilespmem:s28+$0x4030];
	[tilespmem:s23+$0xC490] =	vst v29  }
0xb6: {  	v36 =	vld [tilespmem:s28+$0x4040];
	[tilespmem:s23+$0xC4B0] =	vst v33  }
0xb7: {  	v37 =	vld [tilespmem:s28+$0x4050];
	[tilespmem:s23+$0xC4D0] =	vst v23  }
0xb8: {  	v38 =	vld [tilespmem:s28+$0x4060];
	[tilespmem:s23+$0xC4F0] =	vst v0  }
0xb9: {  	v39 =	vld [tilespmem:s28+$0x4070];
	[tilespmem:s23+$0xC400] =	vst v14  }
0xba: {  	v14 =	vld [tilespmem:s28+$0x4400];
	[tilespmem:s23+$0xC410] =	vst v12  }
0xbb: {  	v12 =	vld [tilespmem:s28+$0x4410];
	[tilespmem:s23+$0xC420] =	vst v13  }
0xbc: {  	v13 =	vld [tilespmem:s28+$0x4420];
	[tilespmem:s23+$0xC430] =	vst v11  }
0xbd: {  	v11 =	vld [tilespmem:s28+$0x4430];
	[tilespmem:s23+$0xC440] =	vst v16  }
0xbe: {  	s24 =	sadd.s32 $0x2, s24;
	v16 =	vld [tilespmem:s28+$0x4440];
	[tilespmem:s23+$0xC450] =	vst v15  }
0xbf: {  	p0 =	slt.u32 s24, $0x3E;
	v17 =	vadd.f32 v20, v17;
	v18 =	vadd.f32 v28, v18;
	v15 =	vld [tilespmem:s28+$0x4460];
	[tilespmem:s23+$0xC460] =	vst v9  }
0xc0: {  	v21 =	vadd.f32 v30, v21;
	v20 =	vadd.f32 v31, v19;
	v19 =	vld [tilespmem:s28+$0x4470];
	[tilespmem:s23+$0xC470] =	vst v8;
	s23 =	smov.u32 s28  }
0xc1: {  	v27 =	vadd.f32 v36, v27;
	v24 =	vadd.f32 v37, v24;
	[tilespmem:s23+$0xC000] =	vst v17;
	v28 =	vld [tilespmem:s23+$0x4450]  }
0xc2: {  	v32 =	vadd.f32 v38, v32;
	v25 =	vadd.f32 v39, v25;
	[tilespmem:s23+$0xC010] =	vst v18;
	v36 =	vld [tilespmem:s23+$0x44F0]  }
.Ltmp6:
0xc3: {  	v14 =	vadd.f32 v14, v34;
	v12 =	vadd.f32 v12, v29;
	[tilespmem:s23+$0xC020] =	vst v21;
	v31 =	vld [tilespmem:s23+$0x44D0];
	(pc) =	sbr.rel @p0 .LBB2_9-.Ltmp6, $4  }
0xc4: {  	v13 =	vadd.f32 v13, v26;
	v11 =	vadd.f32 v11, v33;
	[tilespmem:s23+$0xC030] =	vst v20;
	v33 =	vld [tilespmem:s23+$0x44B0]  }
0xc5: {  	v9 =	vadd.f32 v15, v1;
	[tilespmem:s23+$0xC040] =	vst v27;
	v8 =	vadd.f32 v19, v0;
	v29 =	vld [tilespmem:s23+$0x4490]  }
0xc6: {  	v16 =	vadd.f32 v16, v22;
	[tilespmem:s23+$0xC050] =	vst v24;
	v15 =	vadd.f32 v28, v23;
	v28 =	vld [tilespmem:s23+$0x40F0]  }
0xc7: {  	s25 =	sadd.s32 $0x100, s25;
	s26 =	sadd.s32 $0x200, s26;
	v1 =	vadd.f32 v35, v9;
	[tilespmem:s23+$0xC060] =	vst v32;
	v30 =	vld [tilespmem:s23+$0x40D0];
	v0 =	vadd.f32 v36, v8  }
0xc8: {  	[tilespmem:s23+$0xC070] =	vst v25  }
0xc9: {  	[tilespmem:s23+$0xC400] =	vst v14  }
0xca: {  	[tilespmem:s23+$0xC410] =	vst v12  }
0xcb: {  	[tilespmem:s23+$0xC420] =	vst v13  }
0xcc: {  	[tilespmem:s23+$0xC430] =	vst v11  }
0xcd: {  	[tilespmem:s23+$0xC440] =	vst v16  }
0xce: {  	[tilespmem:s23+$0xC450] =	vst v15  }
0xcf: {  	[tilespmem:s23+$0xC460] =	vst v9  }
0xd0: {  	[tilespmem:s23+$0xC470] =	vst v8  }
0xd1: {  	v19 =	vadd.f32 v10, v16;
	[tilespmem:s23+$0xC4E0] =	vst v1  }
0xd2: {  	v22 =	vadd.f32 v7, v13;
	[tilespmem:s23+$0xC4F0] =	vst v0  }
0xd3: {  	v23 =	vadd.f32 v6, v14;
	[tilespmem:s23+$0xC4C0] =	vst v19  }
0xd4: {  	v26 =	vadd.f32 v5, v32;
	[tilespmem:s23+$0xC4A0] =	vst v22  }
0xd5: {  	v27 =	vadd.f32 v3, v27;
	[tilespmem:s23+$0xC480] =	vst v23  }
0xd6: {  	v21 =	vadd.f32 v4, v21;
	[tilespmem:s23+$0xC0E0] =	vst v26  }
0xd7: {  	v17 =	vadd.f32 v2, v17;
	[tilespmem:s23+$0xC0C0] =	vst v27  }
0xd8: {  	v63 =	vld [tilespmem:s23+$0x4090];
	[tilespmem:s23+$0xC0A0] =	vst v21;
	v29 =	vadd.f32 v29, v12  }
0xd9: {  	v34 =	vld [tilespmem:s23+$0x40B0];
	[tilespmem:s23+$0xC080] =	vst v17;
	v24 =	vadd.f32 v30, v24  }
0xda: {  	v30 =	vadd.f32 v28, v25;
	[tilespmem:s23+$0xC490] =	vst v29  }
0xdb: {  	v28 =	vadd.f32 v33, v11;
	[tilespmem:s23+$0xC0D0] =	vst v24  }
0xdc: {  	p0 =	seq.s32 s20, $0x3F;
	v25 =	vadd.f32 v31, v15;
	[tilespmem:s23+$0xC0F0] =	vst v30  }
.Ltmp7:
0xdd: {  	v18 =	vadd.f32 v63, v18;
	[tilespmem:s23+$0xC4B0] =	vst v28;
	(pc) =	sbr.rel @p0 .LBB2_12-.Ltmp7, $4  }
0xde: {  	v20 =	vadd.f32 v34, v20;
	[tilespmem:s23+$0xC4D0] =	vst v25  }
0xdf: {  	s22 =	sor.u32 $0x4000, s22;
	[tilespmem:s23+$0xC090] =	vst v18  }
0xe0: {  	s22 =	sadd.s32 s3, s22;
	[tilespmem:s23+$0xC0B0] =	vst v20  }
0xe1: {  	[hbm4b:s22+s11] =	stream.strided.scatter [tilespmem:s17], [sflag:$0x4], $0x4000, s12, s11, $0x38;
	[tilespmem:$0x10000] =	vst v63  }
.Ltmp8:
0xe2: {  	(pc) =	sbr.rel .LBB2_2-.Ltmp8, $4  }
0xe3: {  	s21 =	sadd.s32 s21, s9  }
0xe4: {  	s21 =	sshrl.u32 s21, $0x3  }
0xe5: {  	s20 =	sadd.s32 $0x1, s20;
	s21 =	sadd.s32 s2, s21  }
0xe6: {  	[tilespmem:s12], [sflag:$0x2] =	stream.strided.gather [hbm4b:s21+s11], $0x4000, s12, s11, $0x38;
	[tilespmem:$0x10000] =	vst v63  }
.LBB2_13:
0xe7: {  	_ =	sfence.sel $0x180000  }
0xe8: {  	[bflag:$0x0] =	sbarrier.arrive $0xFFFF  }
0xe9: {  	p0 =	sne.s32 s0, $0x0;
	_ =	strace $0x90000047  }
0xea: {  	s0 =	sadd.s32 @!p0 $0x100000, s1;
	[bflag:$0x2] =	sbarrier.arrive $0xFFFF  }
0xeb: {  	[sflag:s0] =	ssyncadd.tile.s32 @!p0 $0x1;
	_ =	shalt  }
.Lfunc_end2:
_tile_overlayer_lowered:
.L_overlay_start_2:
0xec: {  	(tag) =	ssettag $0x2  }
0xed: {  	s0 =	rddreg [dreg:$0x0];
	s2 =	stileid.u32  }
0xee: {  	s1 =	rddreg [dreg:$0x1];
	p0 =	sne.s32 s2, $0x0  }
0xef: {  	s3 =	rddreg [dreg:$0x2];
	[bflag:$0x3] =	sbarrier.arrive $0xFFFF;
	s2 =	simm.s32 @!p0 $0x1C05  }
0xf0: {  	[timem:s3], [sflag:s2] =	dma.local @!p0 [hbm:s0], s1  }
0xf1: {  	s0 =	simm.s32 @!p0 $0x5  }
0xf2: {  	_ =	swait.ge @!p0 [sflag:s0], s1  }
0xf3: {  	s1 =	ssub.s32 @!p0 $0x0, s1;
	[sflag:s0] =	ssyncset.done @!p0 $0x0  }
0xf4: {  	[sflag:s0] =	ssyncadd.s32 @!p0 s1  }
0xf5: {  	[bflag:$0x3] =	sbarrier.arrive $0xFFFF  }
0xf6: {  	_ =	shalt  }

</sc_bundles>
